<compile_context>
chip_gen: v7x
topology: tpu7x:2x2x1
jax: 0.10.2.dev20260603
libtpu: 0.0.44.dev20260713+nightly
codegen_flags: <defaults>
</compile_context>

<pallas_src>
import functools

import jax
import jax.numpy as jnp
from jax import lax
from jax.experimental import pallas as pl
from jax.experimental.pallas import tpu as pltpu
from jax.experimental.pallas import tpu_sc as plsc

D = 128
NTILES = 32
NSUB = 16
NPAD = 10240
ROWS_PER_TILE = NPAD // NSUB

CHUNK = 128
E2PAD = 655360
TOTAL_CHUNKS = E2PAD // CHUNK
IDX_ROWS = TOTAL_CHUNKS
GRP = 16
NBUF = 2
CPT0 = 288
CPT1 = (TOTAL_CHUNKS - NSUB * CPT0) // NSUB

HCHUNK = 128
HCPT = E2PAD // (NTILES * HCHUNK)
HROWS = E2PAD // HCHUNK


def _mesh():
    return plsc.VectorSubcoreMesh(core_axis_name="c", subcore_axis_name="s")


@functools.partial(
    pl.kernel,
    mesh=_mesh(),
    out_type=jax.ShapeDtypeStruct((2, NPAD), jnp.float32),
    scratch_types=[
        pltpu.VMEM((HCPT, HCHUNK), jnp.int32),
        pltpu.VMEM((HCHUNK,), jnp.float32),
        pltpu.VMEM_SHARED((NPAD,), jnp.float32),
    ],
)
def _degree_kernel(sidx_hbm, zeros_hbm, deg_hbm, idx_v, ones_v, acc_sh):
    core = lax.axis_index("c")
    sid = lax.axis_index("s")
    wid = core * NSUB + sid

    @pl.loop(0, HCHUNK // 16)
    def _(i):
        ones_v[pl.ds(i * 16, 16)] = jnp.full((16,), 1.0, jnp.float32)

    pltpu.sync_copy(zeros_hbm, acc_sh.at[pl.ds(sid * ROWS_PER_TILE, ROWS_PER_TILE)])
    pltpu.sync_copy(sidx_hbm.at[pl.ds(wid * HCPT, HCPT)], idx_v)
    plsc.subcore_barrier()

    @pl.loop(0, HCPT)
    def _(j):
        pltpu.sync_copy(ones_v, acc_sh.at[idx_v.at[j]], add=True)

    plsc.subcore_barrier()
    pltpu.sync_copy(
        acc_sh.at[pl.ds(sid * ROWS_PER_TILE, ROWS_PER_TILE)],
        deg_hbm.at[core, pl.ds(sid * ROWS_PER_TILE, ROWS_PER_TILE)])


def _agg_loop(y_hbm, sidx_hbm, didx_hbm, acc_sh, sidx_v, didx_v,
              rows0, rows1, gsem0, gsem1, ssem0, ssem1, base0, n_groups):
    @pl.loop(0, n_groups)
    def _(g):
        base = base0 + g * GRP
        pltpu.sync_copy(sidx_hbm.at[pl.ds(base, GRP)], sidx_v)
        pltpu.sync_copy(didx_hbm.at[pl.ds(base, GRP)], didx_v)
        pltpu.async_copy(y_hbm.at[sidx_v.at[0]], rows0, gsem0)
        pltpu.async_copy(y_hbm.at[sidx_v.at[1]], rows1, gsem1)

        @pl.loop(0, GRP // 2)
        def _(p):
            j = 2 * p
            pltpu.make_async_copy(y_hbm.at[sidx_v.at[j]], rows0, gsem0).wait()
            pltpu.async_copy(rows0, acc_sh.at[didx_v.at[j]], ssem0, add=True)
            pltpu.make_async_copy(y_hbm.at[sidx_v.at[j + 1]], rows1, gsem1).wait()
            pltpu.async_copy(rows1, acc_sh.at[didx_v.at[j + 1]], ssem1, add=True)

            @pl.when(p < GRP // 2 - 1)
            def _():
                pltpu.make_async_copy(
                    rows0, acc_sh.at[didx_v.at[j]], ssem0).wait()
                pltpu.async_copy(y_hbm.at[sidx_v.at[j + 2]], rows0, gsem0)
                pltpu.make_async_copy(
                    rows1, acc_sh.at[didx_v.at[j + 1]], ssem1).wait()
                pltpu.async_copy(y_hbm.at[sidx_v.at[j + 3]], rows1, gsem1)

            @pl.when(p == GRP // 2 - 1)
            def _():
                pltpu.make_async_copy(
                    rows0, acc_sh.at[didx_v.at[j]], ssem0).wait()
                pltpu.make_async_copy(
                    rows1, acc_sh.at[didx_v.at[j + 1]], ssem1).wait()


@functools.partial(
    pl.kernel,
    mesh=_mesh(),
    out_type=jax.ShapeDtypeStruct((2, NPAD, D), jnp.float32),
    scratch_types=[
        pltpu.VMEM((GRP, CHUNK), jnp.int32),
        pltpu.VMEM((GRP, CHUNK), jnp.int32),
        pltpu.VMEM_SHARED((NPAD, D), jnp.float32),
        pltpu.SemaphoreType.DMA,
        pltpu.SemaphoreType.DMA,
        pltpu.SemaphoreType.DMA,
        pltpu.SemaphoreType.DMA,
    ],
)
def _aggregate_kernel(y_hbm, sidx_hbm, didx_hbm, zeros_hbm, z_hbm,
                      sidx_v, didx_v, acc_sh, gsem0, gsem1, ssem0, ssem1):
    pl.run_scoped(
        functools.partial(_aggregate_body, y_hbm, sidx_hbm, didx_hbm,
                          zeros_hbm, z_hbm, sidx_v, didx_v, acc_sh,
                          gsem0, gsem1, ssem0, ssem1),
        pltpu.VMEM((CHUNK, D), jnp.float32),
        pltpu.VMEM((CHUNK, D), jnp.float32))


def _aggregate_body(y_hbm, sidx_hbm, didx_hbm, zeros_hbm, z_hbm,
                    sidx_v, didx_v, acc_sh, gsem0, gsem1, ssem0, ssem1,
                    rows0, rows1):
    core = lax.axis_index("c")
    sid = lax.axis_index("s")

    pltpu.sync_copy(zeros_hbm, acc_sh.at[pl.ds(sid * ROWS_PER_TILE, ROWS_PER_TILE)])
    plsc.subcore_barrier()

    args = (y_hbm, sidx_hbm, didx_hbm, acc_sh, sidx_v, didx_v,
            rows0, rows1, gsem0, gsem1, ssem0, ssem1)

    @pl.when(core == 0)
    def _():
        _agg_loop(*args, base0=sid * CPT0, n_groups=CPT0 // GRP)

    @pl.when(core == 1)
    def _():
        _agg_loop(*args, base0=NSUB * CPT0 + sid * CPT1, n_groups=CPT1 // GRP)

    plsc.subcore_barrier()
    pltpu.sync_copy(
        acc_sh.at[pl.ds(sid * ROWS_PER_TILE, ROWS_PER_TILE)],
        z_hbm.at[core, pl.ds(sid * ROWS_PER_TILE, ROWS_PER_TILE)])


def _scale_body(deg2_ref, xp_ref, y_ref, dinv_ref):
    deg = deg2_ref[0, :] + deg2_ref[1, :]
    dinv = jnp.where(deg > 0.0, lax.rsqrt(jnp.maximum(deg, 1.0)), 0.0)
    dinv_ref[...] = dinv[:, None]
    y_ref[...] = xp_ref[...] * dinv[:, None]


def _final_body(x_ref, z_ref, dinv_ref, w_ref, b_ref, o_ref):
    zsum = z_ref[0] + z_ref[1]
    xz = x_ref[...] + dinv_ref[...] * zsum
    r = lax.dot_general(
        xz, w_ref[...], (((1,), (1,)), ((), ())),
        preferred_element_type=jnp.float32, precision=lax.Precision.HIGHEST)
    o_ref[...] = jnp.maximum(r + b_ref[...][None, :], 0.0)


def kernel(x, edge_index, W, b):
    n = x.shape[0]
    n_edges = edge_index.shape[1]
    src = edge_index[0].astype(jnp.int32)
    dst = edge_index[1].astype(jnp.int32)
    pad = jnp.full((E2PAD - 2 * n_edges,), n, jnp.int32)
    sidx = jnp.concatenate([src, dst, pad])
    didx = jnp.concatenate([dst, src, pad])
    sidx_h = sidx.reshape(HROWS, HCHUNK)
    sidx_a = sidx.reshape(IDX_ROWS, CHUNK)
    didx_a = didx.reshape(IDX_ROWS, CHUNK)
    xp = jnp.pad(x, ((0, NPAD - n), (0, 0)))
    zeros1 = jnp.zeros((ROWS_PER_TILE,), jnp.float32)
    zeros2 = jnp.zeros((ROWS_PER_TILE, D), jnp.float32)

    deg2 = _degree_kernel(sidx_h, zeros1)

    y, dinv = pl.pallas_call(
        _scale_body,
        out_shape=[
            jax.ShapeDtypeStruct((NPAD, D), jnp.float32),
            jax.ShapeDtypeStruct((NPAD, 1), jnp.float32),
        ],
    )(deg2, xp)

    z2 = _aggregate_kernel(y, sidx_a, didx_a, zeros2)

    blk = 1000
    out = pl.pallas_call(
        _final_body,
        grid=(n // blk,),
        in_specs=[
            pl.BlockSpec((blk, D), lambda i: (i, 0)),
            pl.BlockSpec((2, blk, D), lambda i: (0, i, 0)),
            pl.BlockSpec((blk, 1), lambda i: (i, 0)),
            pl.BlockSpec((D, D), lambda i: (0, 0)),
            pl.BlockSpec((D,), lambda i: (0,)),
        ],
        out_specs=pl.BlockSpec((blk, D), lambda i: (i, 0)),
        out_shape=jax.ShapeDtypeStruct((n, D), jnp.float32),
    )(x, z2, dinv, W, b)
    return out

# --- scband reference (transcript-rebuilt; emitter-appended) ---
"""Pipeline reference for scband-graph-cnlayer-39195871543809 (READ-ONLY COPY).

The authoritative reference and input builder live on the scoring server;
editing this copy changes nothing except your own understanding.
"""

import jax, jax.numpy as jnp
import numpy as np

N_NODES = 10000
N_EDGES = 320000
D_IN = 128
D_OUT = 128

def setup_inputs(seed: int = 0) -> dict:
    key = jax.random.key(seed)
    k1, k2, k3, k4 = jax.random.split(key, 4)
    x = jax.random.normal(k1, (N_NODES, D_IN), dtype=jnp.float32)
    edge_index = jax.random.randint(k2, (2, N_EDGES), 0, N_NODES, dtype=jnp.int64)
    # nn.Linear(in_features, out_features) params
    bound = 1.0 / np.sqrt(D_IN)
    W = jax.random.uniform(k3, (D_OUT, D_IN), dtype=jnp.float32, minval=-bound, maxval=bound)
    b = jax.random.uniform(k4, (D_OUT,), dtype=jnp.float32, minval=-bound, maxval=bound)
    return {"x": x, "edge_index": edge_index, "W": W, "b": b}

def reference(x, edge_index, W, b):
    src = edge_index[0]
    dst = edge_index[1]
    n = x.shape[0]
    # degree via scatter-add of ones on both endpoints
    deg = jnp.zeros((n,), dtype=jnp.float32)
    deg = deg.at[src].add(jnp.ones_like(src, dtype=jnp.float32))
    deg = deg.at[dst].add(jnp.ones_like(dst, dtype=jnp.float32))
    # deg^{-1/2} with inf -> 0 (matches torch masking of inf)
    safe_deg = jnp.where(deg > 0, deg, 1.0)
    deg_inv_sqrt = jnp.where(deg > 0, 1.0 / jnp.sqrt(safe_deg), 0.0)
    # symmetric-normalized message passing; updates read original x so the
    # sequential edge loop is an order-independent scatter-add
    norm = deg_inv_sqrt[src] * deg_inv_sqrt[dst]
    out = x
    out = out.at[dst].add(norm[:, None] * x[src])
    out = out.at[src].add(norm[:, None] * x[dst])
    return jax.nn.relu(out @ W.T + b)

if __name__ == "__main__":
    import jax
    _d = setup_inputs()
    print(jax.jit(kernel)(*tuple(_d.values())))

</pallas_src>

<mosaic_0001>
#map = affine_map<(d0, d1) -> (0, 0)>
#map1 = affine_map<(d0, d1) -> (0, 0, 0)>
module attributes {stable_mosaic.version = 14 : i64} {
  func.func @_aggregate_kernel(%arg0: i32, %arg1: i32, %arg2: memref<10240x128xf32, #tpu.memory_space<hbm>>, %arg3: memref<5120x128xi32, #tpu.memory_space<hbm>>, %arg4: memref<5120x128xi32, #tpu.memory_space<hbm>>, %arg5: memref<640x128xf32, #tpu.memory_space<hbm>>, %arg6: memref<2x10240x128xf32, #tpu.memory_space<hbm>>, %arg7: memref<16x128xi32, #tpu.memory_space<vmem>>, %arg8: memref<16x128xi32, #tpu.memory_space<vmem>>, %arg9: memref<10240x128xf32, #tpu.memory_space<vmem_shared>>, %arg10: memref<!tpu.dma_semaphore, #tpu.memory_space<semaphore_mem>>, %arg11: memref<!tpu.dma_semaphore, #tpu.memory_space<semaphore_mem>>, %arg12: memref<!tpu.dma_semaphore, #tpu.memory_space<semaphore_mem>>, %arg13: memref<!tpu.dma_semaphore, #tpu.memory_space<semaphore_mem>>) attributes {dimension_semantics = [#tpu.dimension_semantics<core_parallel>, #tpu.dimension_semantics<subcore_parallel>], iteration_bounds = array<i64: 2, 16>, scalar_prefetch = 0 : i64, scratch_operands = 7 : i64, tpu.core_type = #tpu.core_type<sc_vector_subcore>, window_params = [{transform_indices = #map}, {transform_indices = #map}, {transform_indices = #map}, {transform_indices = #map}, {transform_indices = #map1}]} {
    "tpu.region"() ({
      %run_scoped3A = memref.alloca() : memref<128x128xf32, #tpu.memory_space<vmem>>
      %run_scoped3A_0 = memref.alloca() : memref<128x128xf32, #tpu.memory_space<vmem>>
      %mul3A = arith.constant 640 : i32
      %mul3A_1 = arith.muli %arg1, %mul3A : i32
      "tpu.region"() ({
        %run_scoped3A_14 = tpu.sem_alloc : memref<!tpu.dma_semaphore, #tpu.memory_space<semaphore_mem>>
        %dma_start3A = arith.constant 0 : i32
        %dma_start3A_15 = tpu.memref_slice %arg9[%mul3A_1, %dma_start3A] : memref<10240x128xf32, #tpu.memory_space<vmem_shared>> -> memref<640x128xf32, #tpu.memory_space<vmem_shared>>
        tpu.enqueue_dma source(%arg5 : memref<640x128xf32, #tpu.memory_space<hbm>>) target(%dma_start3A_15 : memref<640x128xf32, #tpu.memory_space<vmem_shared>>) target_semaphore(%run_scoped3A_14 : memref<!tpu.dma_semaphore, #tpu.memory_space<semaphore_mem>>)
        %dma_wait3A = arith.constant 0 : i32
        %dma_wait3A_16 = tpu.memref_slice %arg9[%mul3A_1, %dma_wait3A] : memref<10240x128xf32, #tpu.memory_space<vmem_shared>> -> memref<640x128xf32, #tpu.memory_space<vmem_shared>>
        tpu.wait_dma2 semaphore(%run_scoped3A_14 : memref<!tpu.dma_semaphore, #tpu.memory_space<semaphore_mem>>) src(%arg5 : memref<640x128xf32, #tpu.memory_space<hbm>>) dst(%dma_wait3A_16 : memref<640x128xf32, #tpu.memory_space<vmem_shared>>)
        tpu.yield
      }) : () -> ()
      %barrier3A = arith.constant 0 : index
      tpu.barrier barrier_id(%barrier3A)
      %eq3A = arith.constant 0 : i32
      %eq3A_2 = arith.cmpi eq, %arg0, %eq3A : i32
      %convert_element_type3A = arith.extui %eq3A_2 : i1 to i32
      %cond3A = arith.constant 0 : i32
      %cond3A_3 = arith.cmpi ne, %convert_element_type3A, %cond3A : i32
      scf.if %cond3A_3 {
        %mul3A_14 = arith.constant 288 : i32
        %mul3A_15 = arith.muli %arg1, %mul3A_14 : i32
        %scan3A = arith.constant 0 : i32
        %scan3A_16 = arith.constant 18 : i32
        %scan3A_17 = arith.addi %scan3A, %scan3A_16 : i32
        %scan3A_18 = arith.constant 1 : i32
        scf.for %scan3A_20 = %scan3A to %scan3A_17 step %scan3A_18  : i32 {
          %mul3A_21 = arith.constant 1 : i32
          %mul3A_22 = arith.muli %scan3A_20, %mul3A_21 : i32
          %add3A = arith.constant 0 : i32
          %add3A_23 = arith.addi %add3A, %mul3A_22 : i32
          %mul3A_24 = arith.constant 16 : i32
          %mul3A_25 = arith.muli %add3A_23, %mul3A_24 : i32
          %add3A_26 = arith.addi %mul3A_15, %mul3A_25 : i32
          "tpu.region"() ({
            %run_scoped3A_45 = tpu.sem_alloc : memref<!tpu.dma_semaphore, #tpu.memory_space<semaphore_mem>>
            %dma_start3A_46 = arith.constant 0 : i32
            %dma_start3A_47 = tpu.memref_slice %arg3[%add3A_26, %dma_start3A_46] : memref<5120x128xi32, #tpu.memory_space<hbm>> -> memref<16x128xi32, #tpu.memory_space<hbm>>
            %dma_start3A_48 = arith.constant 0 : i32
            %dma_start3A_49 = tpu.memref_slice %arg3[%add3A_26, %dma_start3A_48] : memref<5120x128xi32, #tpu.memory_space<hbm>> -> memref<16x128xi32, #tpu.memory_space<hbm>>
            tpu.enqueue_dma source(%dma_start3A_49 : memref<16x128xi32, #tpu.memory_space<hbm>>) target(%arg7 : memref<16x128xi32, #tpu.memory_space<vmem>>) target_semaphore(%run_scoped3A_45 : memref<!tpu.dma_semaphore, #tpu.memory_space<semaphore_mem>>)
            %dma_wait3A = arith.constant 0 : i32
            %dma_wait3A_50 = tpu.memref_slice %arg3[%add3A_26, %dma_wait3A] : memref<5120x128xi32, #tpu.memory_space<hbm>> -> memref<16x128xi32, #tpu.memory_space<hbm>>
            %dma_wait3A_51 = arith.constant 0 : i32
            %dma_wait3A_52 = tpu.memref_slice %arg3[%add3A_26, %dma_wait3A_51] : memref<5120x128xi32, #tpu.memory_space<hbm>> -> memref<16x128xi32, #tpu.memory_space<hbm>>
            tpu.wait_dma2 semaphore(%run_scoped3A_45 : memref<!tpu.dma_semaphore, #tpu.memory_space<semaphore_mem>>) src(%dma_wait3A_52 : memref<16x128xi32, #tpu.memory_space<hbm>>) dst(%arg7 : memref<16x128xi32, #tpu.memory_space<vmem>>)
            tpu.yield
          }) : () -> ()
          "tpu.region"() ({
            %run_scoped3A_45 = tpu.sem_alloc : memref<!tpu.dma_semaphore, #tpu.memory_space<semaphore_mem>>
            %dma_start3A_46 = arith.constant 0 : i32
            %dma_start3A_47 = tpu.memref_slice %arg4[%add3A_26, %dma_start3A_46] : memref<5120x128xi32, #tpu.memory_space<hbm>> -> memref<16x128xi32, #tpu.memory_space<hbm>>
            %dma_start3A_48 = arith.constant 0 : i32
            %dma_start3A_49 = tpu.memref_slice %arg4[%add3A_26, %dma_start3A_48] : memref<5120x128xi32, #tpu.memory_space<hbm>> -> memref<16x128xi32, #tpu.memory_space<hbm>>
            tpu.enqueue_dma source(%dma_start3A_49 : memref<16x128xi32, #tpu.memory_space<hbm>>) target(%arg8 : memref<16x128xi32, #tpu.memory_space<vmem>>) target_semaphore(%run_scoped3A_45 : memref<!tpu.dma_semaphore, #tpu.memory_space<semaphore_mem>>)
            %dma_wait3A = arith.constant 0 : i32
            %dma_wait3A_50 = tpu.memref_slice %arg4[%add3A_26, %dma_wait3A] : memref<5120x128xi32, #tpu.memory_space<hbm>> -> memref<16x128xi32, #tpu.memory_space<hbm>>
            %dma_wait3A_51 = arith.constant 0 : i32
            %dma_wait3A_52 = tpu.memref_slice %arg4[%add3A_26, %dma_wait3A_51] : memref<5120x128xi32, #tpu.memory_space<hbm>> -> memref<16x128xi32, #tpu.memory_space<hbm>>
            tpu.wait_dma2 semaphore(%run_scoped3A_45 : memref<!tpu.dma_semaphore, #tpu.memory_space<semaphore_mem>>) src(%dma_wait3A_52 : memref<16x128xi32, #tpu.memory_space<hbm>>) dst(%arg8 : memref<16x128xi32, #tpu.memory_space<vmem>>)
            tpu.yield
          }) : () -> ()
          %dma_start3A = arith.constant 0 : i32
          %dma_start3A_27 = arith.constant 0 : i32
          %dma_start3A_28 = tpu.memref_slice %arg7[%dma_start3A, %dma_start3A_27] : memref<16x128xi32, #tpu.memory_space<vmem>> -> memref<1x128xi32, #tpu.memory_space<vmem>>
          %dma_start3A_29 = tpu.memref_squeeze %dma_start3A_28 : memref<1x128xi32, #tpu.memory_space<vmem>> -> memref<128xi32, #tpu.memory_space<vmem>>
          %dma_start3A_30 = arith.constant 0 : i32
          %dma_start3A_31 = arith.constant 0 : i32
          %dma_start3A_32 = tpu.memref_slice %arg2[%dma_start3A_30, %dma_start3A_31] : memref<10240x128xf32, #tpu.memory_space<hbm>> -> memref<10240x128xf32, #tpu.memory_space<hbm>>
          tpu.enqueue_indirect_dma source(%dma_start3A_32 : memref<10240x128xf32, #tpu.memory_space<hbm>>) target(%run_scoped3A : memref<128x128xf32, #tpu.memory_space<vmem>>) offsets(%dma_start3A_29 : memref<128xi32, #tpu.memory_space<vmem>>) semaphore(%arg10 : memref<!tpu.dma_semaphore, #tpu.memory_space<semaphore_mem>>)
          %dma_start3A_33 = arith.constant 1 : i32
          %dma_start3A_34 = arith.constant 0 : i32
          %dma_start3A_35 = tpu.memref_slice %arg7[%dma_start3A_33, %dma_start3A_34] : memref<16x128xi32, #tpu.memory_space<vmem>> -> memref<1x128xi32, #tpu.memory_space<vmem>>
          %dma_start3A_36 = tpu.memref_squeeze %dma_start3A_35 : memref<1x128xi32, #tpu.memory_space<vmem>> -> memref<128xi32, #tpu.memory_space<vmem>>
          %dma_start3A_37 = arith.constant 0 : i32
          %dma_start3A_38 = arith.constant 0 : i32
          %dma_start3A_39 = tpu.memref_slice %arg2[%dma_start3A_37, %dma_start3A_38] : memref<10240x128xf32, #tpu.memory_space<hbm>> -> memref<10240x128xf32, #tpu.memory_space<hbm>>
          tpu.enqueue_indirect_dma source(%dma_start3A_39 : memref<10240x128xf32, #tpu.memory_space<hbm>>) target(%run_scoped3A_0 : memref<128x128xf32, #tpu.memory_space<vmem>>) offsets(%dma_start3A_36 : memref<128xi32, #tpu.memory_space<vmem>>) semaphore(%arg11 : memref<!tpu.dma_semaphore, #tpu.memory_space<semaphore_mem>>)
          %scan3A_40 = arith.constant 0 : i32
          %scan3A_41 = arith.constant 8 : i32
          %scan3A_42 = arith.addi %scan3A_40, %scan3A_41 : i32
          %scan3A_43 = arith.constant 1 : i32
          scf.for %scan3A_45 = %scan3A_40 to %scan3A_42 step %scan3A_43  : i32 {
            %mul3A_46 = arith.constant 1 : i32
            %mul3A_47 = arith.muli %scan3A_45, %mul3A_46 : i32
            %add3A_48 = arith.constant 0 : i32
            %add3A_49 = arith.addi %add3A_48, %mul3A_47 : i32
            %mul3A_50 = arith.constant 2 : i32
            %mul3A_51 = arith.muli %mul3A_50, %add3A_49 : i32
            %dma_wait3A = arith.constant 0 : i32
            %dma_wait3A_52 = tpu.memref_slice %arg7[%mul3A_51, %dma_wait3A] : memref<16x128xi32, #tpu.memory_space<vmem>> -> memref<1x128xi32, #tpu.memory_space<vmem>>
            %dma_wait3A_53 = tpu.memref_squeeze %dma_wait3A_52 : memref<1x128xi32, #tpu.memory_space<vmem>> -> memref<128xi32, #tpu.memory_space<vmem>>
            %dma_wait3A_54 = arith.constant 0 : i32
            %dma_wait3A_55 = arith.constant 0 : i32
            %dma_wait3A_56 = tpu.memref_slice %arg2[%dma_wait3A_54, %dma_wait3A_55] : memref<10240x128xf32, #tpu.memory_space<hbm>> -> memref<10240x128xf32, #tpu.memory_space<hbm>>
            tpu.wait_indirect_dma semaphore(%arg10 : memref<!tpu.dma_semaphore, #tpu.memory_space<semaphore_mem>>) src(%dma_wait3A_56 : memref<10240x128xf32, #tpu.memory_space<hbm>>) dst(%run_scoped3A : memref<128x128xf32, #tpu.memory_space<vmem>>)
            %dma_start3A_57 = arith.constant 0 : i32
            %dma_start3A_58 = tpu.memref_slice %arg8[%mul3A_51, %dma_start3A_57] : memref<16x128xi32, #tpu.memory_space<vmem>> -> memref<1x128xi32, #tpu.memory_space<vmem>>
            %dma_start3A_59 = tpu.memref_squeeze %dma_start3A_58 : memref<1x128xi32, #tpu.memory_space<vmem>> -> memref<128xi32, #tpu.memory_space<vmem>>
            %dma_start3A_60 = arith.constant 0 : i32
            %dma_start3A_61 = arith.constant 0 : i32
            %dma_start3A_62 = tpu.memref_slice %arg9[%dma_start3A_60, %dma_start3A_61] : memref<10240x128xf32, #tpu.memory_space<vmem_shared>> -> memref<10240x128xf32, #tpu.memory_space<vmem_shared>>
            tpu.enqueue_indirect_dma source(%run_scoped3A : memref<128x128xf32, #tpu.memory_space<vmem>>) target(%dma_start3A_62 : memref<10240x128xf32, #tpu.memory_space<vmem_shared>>) offsets(%dma_start3A_59 : memref<128xi32, #tpu.memory_space<vmem>>) semaphore(%arg12 : memref<!tpu.dma_semaphore, #tpu.memory_space<semaphore_mem>>) {add = true}
            %add3A_63 = arith.constant 1 : i32
            %add3A_64 = arith.addi %mul3A_51, %add3A_63 : i32
            %dma_wait3A_65 = arith.constant 0 : i32
            %dma_wait3A_66 = tpu.memref_slice %arg7[%add3A_64, %dma_wait3A_65] : memref<16x128xi32, #tpu.memory_space<vmem>> -> memref<1x128xi32, #tpu.memory_space<vmem>>
            %dma_wait3A_67 = tpu.memref_squeeze %dma_wait3A_66 : memref<1x128xi32, #tpu.memory_space<vmem>> -> memref<128xi32, #tpu.memory_space<vmem>>
            %dma_wait3A_68 = arith.constant 0 : i32
            %dma_wait3A_69 = arith.constant 0 : i32
            %dma_wait3A_70 = tpu.memref_slice %arg2[%dma_wait3A_68, %dma_wait3A_69] : memref<10240x128xf32, #tpu.memory_space<hbm>> -> memref<10240x128xf32, #tpu.memory_space<hbm>>
            tpu.wait_indirect_dma semaphore(%arg11 : memref<!tpu.dma_semaphore, #tpu.memory_space<semaphore_mem>>) src(%dma_wait3A_70 : memref<10240x128xf32, #tpu.memory_space<hbm>>) dst(%run_scoped3A_0 : memref<128x128xf32, #tpu.memory_space<vmem>>)
            %add3A_71 = arith.constant 1 : i32
            %add3A_72 = arith.addi %mul3A_51, %add3A_71 : i32
            %dma_start3A_73 = arith.constant 0 : i32
            %dma_start3A_74 = tpu.memref_slice %arg8[%add3A_72, %dma_start3A_73] : memref<16x128xi32, #tpu.memory_space<vmem>> -> memref<1x128xi32, #tpu.memory_space<vmem>>
            %dma_start3A_75 = tpu.memref_squeeze %dma_start3A_74 : memref<1x128xi32, #tpu.memory_space<vmem>> -> memref<128xi32, #tpu.memory_space<vmem>>
            %dma_start3A_76 = arith.constant 0 : i32
            %dma_start3A_77 = arith.constant 0 : i32
            %dma_start3A_78 = tpu.memref_slice %arg9[%dma_start3A_76, %dma_start3A_77] : memref<10240x128xf32, #tpu.memory_space<vmem_shared>> -> memref<10240x128xf32, #tpu.memory_space<vmem_shared>>
            tpu.enqueue_indirect_dma source(%run_scoped3A_0 : memref<128x128xf32, #tpu.memory_space<vmem>>) target(%dma_start3A_78 : memref<10240x128xf32, #tpu.memory_space<vmem_shared>>) offsets(%dma_start3A_75 : memref<128xi32, #tpu.memory_space<vmem>>) semaphore(%arg13 : memref<!tpu.dma_semaphore, #tpu.memory_space<semaphore_mem>>) {add = true}
            %lt3A = arith.constant 7 : i32
            %lt3A_79 = arith.cmpi slt, %add3A_49, %lt3A : i32
            %convert_element_type3A_80 = arith.extui %lt3A_79 : i1 to i32
            %cond3A_81 = arith.constant 0 : i32
            %cond3A_82 = arith.cmpi ne, %convert_element_type3A_80, %cond3A_81 : i32
            scf.if %cond3A_82 {
              %dma_wait3A_88 = arith.constant 0 : i32
              %dma_wait3A_89 = tpu.memref_slice %arg8[%mul3A_51, %dma_wait3A_88] : memref<16x128xi32, #tpu.memory_space<vmem>> -> memref<1x128xi32, #tpu.memory_space<vmem>>
              %dma_wait3A_90 = tpu.memref_squeeze %dma_wait3A_89 : memref<1x128xi32, #tpu.memory_space<vmem>> -> memref<128xi32, #tpu.memory_space<vmem>>
              %dma_wait3A_91 = arith.constant 0 : i32
              %dma_wait3A_92 = arith.constant 0 : i32
              %dma_wait3A_93 = tpu.memref_slice %arg9[%dma_wait3A_91, %dma_wait3A_92] : memref<10240x128xf32, #tpu.memory_space<vmem_shared>> -> memref<10240x128xf32, #tpu.memory_space<vmem_shared>>
              tpu.wait_indirect_dma semaphore(%arg12 : memref<!tpu.dma_semaphore, #tpu.memory_space<semaphore_mem>>) src(%run_scoped3A : memref<128x128xf32, #tpu.memory_space<vmem>>) dst(%dma_wait3A_93 : memref<10240x128xf32, #tpu.memory_space<vmem_shared>>)
              %add3A_94 = arith.constant 2 : i32
              %add3A_95 = arith.addi %mul3A_51, %add3A_94 : i32
              %dma_start3A_96 = arith.constant 0 : i32
              %dma_start3A_97 = tpu.memref_slice %arg7[%add3A_95, %dma_start3A_96] : memref<16x128xi32, #tpu.memory_space<vmem>> -> memref<1x128xi32, #tpu.memory_space<vmem>>
              %dma_start3A_98 = tpu.memref_squeeze %dma_start3A_97 : memref<1x128xi32, #tpu.memory_space<vmem>> -> memref<128xi32, #tpu.memory_space<vmem>>
              %dma_start3A_99 = arith.constant 0 : i32
              %dma_start3A_100 = arith.constant 0 : i32
              %dma_start3A_101 = tpu.memref_slice %arg2[%dma_start3A_99, %dma_start3A_100] : memref<10240x128xf32, #tpu.memory_space<hbm>> -> memref<10240x128xf32, #tpu.memory_space<hbm>>
              tpu.enqueue_indirect_dma source(%dma_start3A_101 : memref<10240x128xf32, #tpu.memory_space<hbm>>) target(%run_scoped3A : memref<128x128xf32, #tpu.memory_space<vmem>>) offsets(%dma_start3A_98 : memref<128xi32, #tpu.memory_space<vmem>>) semaphore(%arg10 : memref<!tpu.dma_semaphore, #tpu.memory_space<semaphore_mem>>)
              %add3A_102 = arith.constant 1 : i32
              %add3A_103 = arith.addi %mul3A_51, %add3A_102 : i32
              %dma_wait3A_104 = arith.constant 0 : i32
              %dma_wait3A_105 = tpu.memref_slice %arg8[%add3A_103, %dma_wait3A_104] : memref<16x128xi32, #tpu.memory_space<vmem>> -> memref<1x128xi32, #tpu.memory_space<vmem>>
              %dma_wait3A_106 = tpu.memref_squeeze %dma_wait3A_105 : memref<1x128xi32, #tpu.memory_space<vmem>> -> memref<128xi32, #tpu.memory_space<vmem>>
              %dma_wait3A_107 = arith.constant 0 : i32
              %dma_wait3A_108 = arith.constant 0 : i32
              %dma_wait3A_109 = tpu.memref_slice %arg9[%dma_wait3A_107, %dma_wait3A_108] : memref<10240x128xf32, #tpu.memory_space<vmem_shared>> -> memref<10240x128xf32, #tpu.memory_space<vmem_shared>>
              tpu.wait_indirect_dma semaphore(%arg13 : memref<!tpu.dma_semaphore, #tpu.memory_space<semaphore_mem>>) src(%run_scoped3A_0 : memref<128x128xf32, #tpu.memory_space<vmem>>) dst(%dma_wait3A_109 : memref<10240x128xf32, #tpu.memory_space<vmem_shared>>)
              %add3A_110 = arith.constant 3 : i32
              %add3A_111 = arith.addi %mul3A_51, %add3A_110 : i32
              %dma_start3A_112 = arith.constant 0 : i32
              %dma_start3A_113 = tpu.memref_slice %arg7[%add3A_111, %dma_start3A_112] : memref<16x128xi32, #tpu.memory_space<vmem>> -> memref<1x128xi32, #tpu.memory_space<vmem>>
              %dma_start3A_114 = tpu.memref_squeeze %dma_start3A_113 : memref<1x128xi32, #tpu.memory_space<vmem>> -> memref<128xi32, #tpu.memory_space<vmem>>
              %dma_start3A_115 = arith.constant 0 : i32
              %dma_start3A_116 = arith.constant 0 : i32
              %dma_start3A_117 = tpu.memref_slice %arg2[%dma_start3A_115, %dma_start3A_116] : memref<10240x128xf32, #tpu.memory_space<hbm>> -> memref<10240x128xf32, #tpu.memory_space<hbm>>
              tpu.enqueue_indirect_dma source(%dma_start3A_117 : memref<10240x128xf32, #tpu.memory_space<hbm>>) target(%run_scoped3A_0 : memref<128x128xf32, #tpu.memory_space<vmem>>) offsets(%dma_start3A_114 : memref<128xi32, #tpu.memory_space<vmem>>) semaphore(%arg11 : memref<!tpu.dma_semaphore, #tpu.memory_space<semaphore_mem>>)
            } else {
            }
            %eq3A_83 = arith.constant 7 : i32
            %eq3A_84 = arith.cmpi eq, %add3A_49, %eq3A_83 : i32
            %convert_element_type3A_85 = arith.extui %eq3A_84 : i1 to i32
            %cond3A_86 = arith.constant 0 : i32
            %cond3A_87 = arith.cmpi ne, %convert_element_type3A_85, %cond3A_86 : i32
            scf.if %cond3A_87 {
              %dma_wait3A_88 = arith.constant 0 : i32
              %dma_wait3A_89 = tpu.memref_slice %arg8[%mul3A_51, %dma_wait3A_88] : memref<16x128xi32, #tpu.memory_space<vmem>> -> memref<1x128xi32, #tpu.memory_space<vmem>>
              %dma_wait3A_90 = tpu.memref_squeeze %dma_wait3A_89 : memref<1x128xi32, #tpu.memory_space<vmem>> -> memref<128xi32, #tpu.memory_space<vmem>>
              %dma_wait3A_91 = arith.constant 0 : i32
              %dma_wait3A_92 = arith.constant 0 : i32
              %dma_wait3A_93 = tpu.memref_slice %arg9[%dma_wait3A_91, %dma_wait3A_92] : memref<10240x128xf32, #tpu.memory_space<vmem_shared>> -> memref<10240x128xf32, #tpu.memory_space<vmem_shared>>
              tpu.wait_indirect_dma semaphore(%arg12 : memref<!tpu.dma_semaphore, #tpu.memory_space<semaphore_mem>>) src(%run_scoped3A : memref<128x128xf32, #tpu.memory_space<vmem>>) dst(%dma_wait3A_93 : memref<10240x128xf32, #tpu.memory_space<vmem_shared>>)
              %add3A_94 = arith.constant 1 : i32
              %add3A_95 = arith.addi %mul3A_51, %add3A_94 : i32
              %dma_wait3A_96 = arith.constant 0 : i32
              %dma_wait3A_97 = tpu.memref_slice %arg8[%add3A_95, %dma_wait3A_96] : memref<16x128xi32, #tpu.memory_space<vmem>> -> memref<1x128xi32, #tpu.memory_space<vmem>>
              %dma_wait3A_98 = tpu.memref_squeeze %dma_wait3A_97 : memref<1x128xi32, #tpu.memory_space<vmem>> -> memref<128xi32, #tpu.memory_space<vmem>>
              %dma_wait3A_99 = arith.constant 0 : i32
              %dma_wait3A_100 = arith.constant 0 : i32
              %dma_wait3A_101 = tpu.memref_slice %arg9[%dma_wait3A_99, %dma_wait3A_100] : memref<10240x128xf32, #tpu.memory_space<vmem_shared>> -> memref<10240x128xf32, #tpu.memory_space<vmem_shared>>
              tpu.wait_indirect_dma semaphore(%arg13 : memref<!tpu.dma_semaphore, #tpu.memory_space<semaphore_mem>>) src(%run_scoped3A_0 : memref<128x128xf32, #tpu.memory_space<vmem>>) dst(%dma_wait3A_101 : memref<10240x128xf32, #tpu.memory_space<vmem_shared>>)
            } else {
            }
          }
          %scan3A_44 = arith.constant 8 : i32
        }
        %scan3A_19 = arith.constant 18 : i32
      } else {
      }
      %eq3A_4 = arith.constant 1 : i32
      %eq3A_5 = arith.cmpi eq, %arg0, %eq3A_4 : i32
      %convert_element_type3A_6 = arith.extui %eq3A_5 : i1 to i32
      %cond3A_7 = arith.constant 0 : i32
      %cond3A_8 = arith.cmpi ne, %convert_element_type3A_6, %cond3A_7 : i32
      scf.if %cond3A_8 {
        %mul3A_14 = arith.constant 32 : i32
        %mul3A_15 = arith.muli %arg1, %mul3A_14 : i32
        %add3A = arith.constant 4608 : i32
        %add3A_16 = arith.addi %add3A, %mul3A_15 : i32
        %scan3A = arith.constant 0 : i32
        %scan3A_17 = arith.constant 2 : i32
        %scan3A_18 = arith.addi %scan3A, %scan3A_17 : i32
        %scan3A_19 = arith.constant 1 : i32
        scf.for %scan3A_21 = %scan3A to %scan3A_18 step %scan3A_19  : i32 {
          %mul3A_22 = arith.constant 1 : i32
          %mul3A_23 = arith.muli %scan3A_21, %mul3A_22 : i32
          %add3A_24 = arith.constant 0 : i32
          %add3A_25 = arith.addi %add3A_24, %mul3A_23 : i32
          %mul3A_26 = arith.constant 16 : i32
          %mul3A_27 = arith.muli %add3A_25, %mul3A_26 : i32
          %add3A_28 = arith.addi %add3A_16, %mul3A_27 : i32
          "tpu.region"() ({
            %run_scoped3A_47 = tpu.sem_alloc : memref<!tpu.dma_semaphore, #tpu.memory_space<semaphore_mem>>
            %dma_start3A_48 = arith.constant 0 : i32
            %dma_start3A_49 = tpu.memref_slice %arg3[%add3A_28, %dma_start3A_48] : memref<5120x128xi32, #tpu.memory_space<hbm>> -> memref<16x128xi32, #tpu.memory_space<hbm>>
            %dma_start3A_50 = arith.constant 0 : i32
            %dma_start3A_51 = tpu.memref_slice %arg3[%add3A_28, %dma_start3A_50] : memref<5120x128xi32, #tpu.memory_space<hbm>> -> memref<16x128xi32, #tpu.memory_space<hbm>>
            tpu.enqueue_dma source(%dma_start3A_51 : memref<16x128xi32, #tpu.memory_space<hbm>>) target(%arg7 : memref<16x128xi32, #tpu.memory_space<vmem>>) target_semaphore(%run_scoped3A_47 : memref<!tpu.dma_semaphore, #tpu.memory_space<semaphore_mem>>)
            %dma_wait3A = arith.constant 0 : i32
            %dma_wait3A_52 = tpu.memref_slice %arg3[%add3A_28, %dma_wait3A] : memref<5120x128xi32, #tpu.memory_space<hbm>> -> memref<16x128xi32, #tpu.memory_space<hbm>>
            %dma_wait3A_53 = arith.constant 0 : i32
            %dma_wait3A_54 = tpu.memref_slice %arg3[%add3A_28, %dma_wait3A_53] : memref<5120x128xi32, #tpu.memory_space<hbm>> -> memref<16x128xi32, #tpu.memory_space<hbm>>
            tpu.wait_dma2 semaphore(%run_scoped3A_47 : memref<!tpu.dma_semaphore, #tpu.memory_space<semaphore_mem>>) src(%dma_wait3A_54 : memref<16x128xi32, #tpu.memory_space<hbm>>) dst(%arg7 : memref<16x128xi32, #tpu.memory_space<vmem>>)
            tpu.yield
          }) : () -> ()
          "tpu.region"() ({
            %run_scoped3A_47 = tpu.sem_alloc : memref<!tpu.dma_semaphore, #tpu.memory_space<semaphore_mem>>
            %dma_start3A_48 = arith.constant 0 : i32
            %dma_start3A_49 = tpu.memref_slice %arg4[%add3A_28, %dma_start3A_48] : memref<5120x128xi32, #tpu.memory_space<hbm>> -> memref<16x128xi32, #tpu.memory_space<hbm>>
            %dma_start3A_50 = arith.constant 0 : i32
            %dma_start3A_51 = tpu.memref_slice %arg4[%add3A_28, %dma_start3A_50] : memref<5120x128xi32, #tpu.memory_space<hbm>> -> memref<16x128xi32, #tpu.memory_space<hbm>>
            tpu.enqueue_dma source(%dma_start3A_51 : memref<16x128xi32, #tpu.memory_space<hbm>>) target(%arg8 : memref<16x128xi32, #tpu.memory_space<vmem>>) target_semaphore(%run_scoped3A_47 : memref<!tpu.dma_semaphore, #tpu.memory_space<semaphore_mem>>)
            %dma_wait3A = arith.constant 0 : i32
            %dma_wait3A_52 = tpu.memref_slice %arg4[%add3A_28, %dma_wait3A] : memref<5120x128xi32, #tpu.memory_space<hbm>> -> memref<16x128xi32, #tpu.memory_space<hbm>>
            %dma_wait3A_53 = arith.constant 0 : i32
            %dma_wait3A_54 = tpu.memref_slice %arg4[%add3A_28, %dma_wait3A_53] : memref<5120x128xi32, #tpu.memory_space<hbm>> -> memref<16x128xi32, #tpu.memory_space<hbm>>
            tpu.wait_dma2 semaphore(%run_scoped3A_47 : memref<!tpu.dma_semaphore, #tpu.memory_space<semaphore_mem>>) src(%dma_wait3A_54 : memref<16x128xi32, #tpu.memory_space<hbm>>) dst(%arg8 : memref<16x128xi32, #tpu.memory_space<vmem>>)
            tpu.yield
          }) : () -> ()
          %dma_start3A = arith.constant 0 : i32
          %dma_start3A_29 = arith.constant 0 : i32
          %dma_start3A_30 = tpu.memref_slice %arg7[%dma_start3A, %dma_start3A_29] : memref<16x128xi32, #tpu.memory_space<vmem>> -> memref<1x128xi32, #tpu.memory_space<vmem>>
          %dma_start3A_31 = tpu.memref_squeeze %dma_start3A_30 : memref<1x128xi32, #tpu.memory_space<vmem>> -> memref<128xi32, #tpu.memory_space<vmem>>
          %dma_start3A_32 = arith.constant 0 : i32
          %dma_start3A_33 = arith.constant 0 : i32
          %dma_start3A_34 = tpu.memref_slice %arg2[%dma_start3A_32, %dma_start3A_33] : memref<10240x128xf32, #tpu.memory_space<hbm>> -> memref<10240x128xf32, #tpu.memory_space<hbm>>
          tpu.enqueue_indirect_dma source(%dma_start3A_34 : memref<10240x128xf32, #tpu.memory_space<hbm>>) target(%run_scoped3A : memref<128x128xf32, #tpu.memory_space<vmem>>) offsets(%dma_start3A_31 : memref<128xi32, #tpu.memory_space<vmem>>) semaphore(%arg10 : memref<!tpu.dma_semaphore, #tpu.memory_space<semaphore_mem>>)
          %dma_start3A_35 = arith.constant 1 : i32
          %dma_start3A_36 = arith.constant 0 : i32
          %dma_start3A_37 = tpu.memref_slice %arg7[%dma_start3A_35, %dma_start3A_36] : memref<16x128xi32, #tpu.memory_space<vmem>> -> memref<1x128xi32, #tpu.memory_space<vmem>>
          %dma_start3A_38 = tpu.memref_squeeze %dma_start3A_37 : memref<1x128xi32, #tpu.memory_space<vmem>> -> memref<128xi32, #tpu.memory_space<vmem>>
          %dma_start3A_39 = arith.constant 0 : i32
          %dma_start3A_40 = arith.constant 0 : i32
          %dma_start3A_41 = tpu.memref_slice %arg2[%dma_start3A_39, %dma_start3A_40] : memref<10240x128xf32, #tpu.memory_space<hbm>> -> memref<10240x128xf32, #tpu.memory_space<hbm>>
          tpu.enqueue_indirect_dma source(%dma_start3A_41 : memref<10240x128xf32, #tpu.memory_space<hbm>>) target(%run_scoped3A_0 : memref<128x128xf32, #tpu.memory_space<vmem>>) offsets(%dma_start3A_38 : memref<128xi32, #tpu.memory_space<vmem>>) semaphore(%arg11 : memref<!tpu.dma_semaphore, #tpu.memory_space<semaphore_mem>>)
          %scan3A_42 = arith.constant 0 : i32
          %scan3A_43 = arith.constant 8 : i32
          %scan3A_44 = arith.addi %scan3A_42, %scan3A_43 : i32
          %scan3A_45 = arith.constant 1 : i32
          scf.for %scan3A_47 = %scan3A_42 to %scan3A_44 step %scan3A_45  : i32 {
            %mul3A_48 = arith.constant 1 : i32
            %mul3A_49 = arith.muli %scan3A_47, %mul3A_48 : i32
            %add3A_50 = arith.constant 0 : i32
            %add3A_51 = arith.addi %add3A_50, %mul3A_49 : i32
            %mul3A_52 = arith.constant 2 : i32
            %mul3A_53 = arith.muli %mul3A_52, %add3A_51 : i32
            %dma_wait3A = arith.constant 0 : i32
            %dma_wait3A_54 = tpu.memref_slice %arg7[%mul3A_53, %dma_wait3A] : memref<16x128xi32, #tpu.memory_space<vmem>> -> memref<1x128xi32, #tpu.memory_space<vmem>>
            %dma_wait3A_55 = tpu.memref_squeeze %dma_wait3A_54 : memref<1x128xi32, #tpu.memory_space<vmem>> -> memref<128xi32, #tpu.memory_space<vmem>>
            %dma_wait3A_56 = arith.constant 0 : i32
            %dma_wait3A_57 = arith.constant 0 : i32
            %dma_wait3A_58 = tpu.memref_slice %arg2[%dma_wait3A_56, %dma_wait3A_57] : memref<10240x128xf32, #tpu.memory_space<hbm>> -> memref<10240x128xf32, #tpu.memory_space<hbm>>
            tpu.wait_indirect_dma semaphore(%arg10 : memref<!tpu.dma_semaphore, #tpu.memory_space<semaphore_mem>>) src(%dma_wait3A_58 : memref<10240x128xf32, #tpu.memory_space<hbm>>) dst(%run_scoped3A : memref<128x128xf32, #tpu.memory_space<vmem>>)
            %dma_start3A_59 = arith.constant 0 : i32
            %dma_start3A_60 = tpu.memref_slice %arg8[%mul3A_53, %dma_start3A_59] : memref<16x128xi32, #tpu.memory_space<vmem>> -> memref<1x128xi32, #tpu.memory_space<vmem>>
            %dma_start3A_61 = tpu.memref_squeeze %dma_start3A_60 : memref<1x128xi32, #tpu.memory_space<vmem>> -> memref<128xi32, #tpu.memory_space<vmem>>
            %dma_start3A_62 = arith.constant 0 : i32
            %dma_start3A_63 = arith.constant 0 : i32
            %dma_start3A_64 = tpu.memref_slice %arg9[%dma_start3A_62, %dma_start3A_63] : memref<10240x128xf32, #tpu.memory_space<vmem_shared>> -> memref<10240x128xf32, #tpu.memory_space<vmem_shared>>
            tpu.enqueue_indirect_dma source(%run_scoped3A : memref<128x128xf32, #tpu.memory_space<vmem>>) target(%dma_start3A_64 : memref<10240x128xf32, #tpu.memory_space<vmem_shared>>) offsets(%dma_start3A_61 : memref<128xi32, #tpu.memory_space<vmem>>) semaphore(%arg12 : memref<!tpu.dma_semaphore, #tpu.memory_space<semaphore_mem>>) {add = true}
            %add3A_65 = arith.constant 1 : i32
            %add3A_66 = arith.addi %mul3A_53, %add3A_65 : i32
            %dma_wait3A_67 = arith.constant 0 : i32
            %dma_wait3A_68 = tpu.memref_slice %arg7[%add3A_66, %dma_wait3A_67] : memref<16x128xi32, #tpu.memory_space<vmem>> -> memref<1x128xi32, #tpu.memory_space<vmem>>
            %dma_wait3A_69 = tpu.memref_squeeze %dma_wait3A_68 : memref<1x128xi32, #tpu.memory_space<vmem>> -> memref<128xi32, #tpu.memory_space<vmem>>
            %dma_wait3A_70 = arith.constant 0 : i32
            %dma_wait3A_71 = arith.constant 0 : i32
            %dma_wait3A_72 = tpu.memref_slice %arg2[%dma_wait3A_70, %dma_wait3A_71] : memref<10240x128xf32, #tpu.memory_space<hbm>> -> memref<10240x128xf32, #tpu.memory_space<hbm>>
            tpu.wait_indirect_dma semaphore(%arg11 : memref<!tpu.dma_semaphore, #tpu.memory_space<semaphore_mem>>) src(%dma_wait3A_72 : memref<10240x128xf32, #tpu.memory_space<hbm>>) dst(%run_scoped3A_0 : memref<128x128xf32, #tpu.memory_space<vmem>>)
            %add3A_73 = arith.constant 1 : i32
            %add3A_74 = arith.addi %mul3A_53, %add3A_73 : i32
            %dma_start3A_75 = arith.constant 0 : i32
            %dma_start3A_76 = tpu.memref_slice %arg8[%add3A_74, %dma_start3A_75] : memref<16x128xi32, #tpu.memory_space<vmem>> -> memref<1x128xi32, #tpu.memory_space<vmem>>
            %dma_start3A_77 = tpu.memref_squeeze %dma_start3A_76 : memref<1x128xi32, #tpu.memory_space<vmem>> -> memref<128xi32, #tpu.memory_space<vmem>>
            %dma_start3A_78 = arith.constant 0 : i32
            %dma_start3A_79 = arith.constant 0 : i32
            %dma_start3A_80 = tpu.memref_slice %arg9[%dma_start3A_78, %dma_start3A_79] : memref<10240x128xf32, #tpu.memory_space<vmem_shared>> -> memref<10240x128xf32, #tpu.memory_space<vmem_shared>>
            tpu.enqueue_indirect_dma source(%run_scoped3A_0 : memref<128x128xf32, #tpu.memory_space<vmem>>) target(%dma_start3A_80 : memref<10240x128xf32, #tpu.memory_space<vmem_shared>>) offsets(%dma_start3A_77 : memref<128xi32, #tpu.memory_space<vmem>>) semaphore(%arg13 : memref<!tpu.dma_semaphore, #tpu.memory_space<semaphore_mem>>) {add = true}
            %lt3A = arith.constant 7 : i32
            %lt3A_81 = arith.cmpi slt, %add3A_51, %lt3A : i32
            %convert_element_type3A_82 = arith.extui %lt3A_81 : i1 to i32
            %cond3A_83 = arith.constant 0 : i32
            %cond3A_84 = arith.cmpi ne, %convert_element_type3A_82, %cond3A_83 : i32
            scf.if %cond3A_84 {
              %dma_wait3A_90 = arith.constant 0 : i32
              %dma_wait3A_91 = tpu.memref_slice %arg8[%mul3A_53, %dma_wait3A_90] : memref<16x128xi32, #tpu.memory_space<vmem>> -> memref<1x128xi32, #tpu.memory_space<vmem>>
              %dma_wait3A_92 = tpu.memref_squeeze %dma_wait3A_91 : memref<1x128xi32, #tpu.memory_space<vmem>> -> memref<128xi32, #tpu.memory_space<vmem>>
              %dma_wait3A_93 = arith.constant 0 : i32
              %dma_wait3A_94 = arith.constant 0 : i32
              %dma_wait3A_95 = tpu.memref_slice %arg9[%dma_wait3A_93, %dma_wait3A_94] : memref<10240x128xf32, #tpu.memory_space<vmem_shared>> -> memref<10240x128xf32, #tpu.memory_space<vmem_shared>>
              tpu.wait_indirect_dma semaphore(%arg12 : memref<!tpu.dma_semaphore, #tpu.memory_space<semaphore_mem>>) src(%run_scoped3A : memref<128x128xf32, #tpu.memory_space<vmem>>) dst(%dma_wait3A_95 : memref<10240x128xf32, #tpu.memory_space<vmem_shared>>)
              %add3A_96 = arith.constant 2 : i32
              %add3A_97 = arith.addi %mul3A_53, %add3A_96 : i32
              %dma_start3A_98 = arith.constant 0 : i32
              %dma_start3A_99 = tpu.memref_slice %arg7[%add3A_97, %dma_start3A_98] : memref<16x128xi32, #tpu.memory_space<vmem>> -> memref<1x128xi32, #tpu.memory_space<vmem>>
              %dma_start3A_100 = tpu.memref_squeeze %dma_start3A_99 : memref<1x128xi32, #tpu.memory_space<vmem>> -> memref<128xi32, #tpu.memory_space<vmem>>
              %dma_start3A_101 = arith.constant 0 : i32
              %dma_start3A_102 = arith.constant 0 : i32
              %dma_start3A_103 = tpu.memref_slice %arg2[%dma_start3A_101, %dma_start3A_102] : memref<10240x128xf32, #tpu.memory_space<hbm>> -> memref<10240x128xf32, #tpu.memory_space<hbm>>
              tpu.enqueue_indirect_dma source(%dma_start3A_103 : memref<10240x128xf32, #tpu.memory_space<hbm>>) target(%run_scoped3A : memref<128x128xf32, #tpu.memory_space<vmem>>) offsets(%dma_start3A_100 : memref<128xi32, #tpu.memory_space<vmem>>) semaphore(%arg10 : memref<!tpu.dma_semaphore, #tpu.memory_space<semaphore_mem>>)
              %add3A_104 = arith.constant 1 : i32
              %add3A_105 = arith.addi %mul3A_53, %add3A_104 : i32
              %dma_wait3A_106 = arith.constant 0 : i32
              %dma_wait3A_107 = tpu.memref_slice %arg8[%add3A_105, %dma_wait3A_106] : memref<16x128xi32, #tpu.memory_space<vmem>> -> memref<1x128xi32, #tpu.memory_space<vmem>>
              %dma_wait3A_108 = tpu.memref_squeeze %dma_wait3A_107 : memref<1x128xi32, #tpu.memory_space<vmem>> -> memref<128xi32, #tpu.memory_space<vmem>>
              %dma_wait3A_109 = arith.constant 0 : i32
              %dma_wait3A_110 = arith.constant 0 : i32
              %dma_wait3A_111 = tpu.memref_slice %arg9[%dma_wait3A_109, %dma_wait3A_110] : memref<10240x128xf32, #tpu.memory_space<vmem_shared>> -> memref<10240x128xf32, #tpu.memory_space<vmem_shared>>
              tpu.wait_indirect_dma semaphore(%arg13 : memref<!tpu.dma_semaphore, #tpu.memory_space<semaphore_mem>>) src(%run_scoped3A_0 : memref<128x128xf32, #tpu.memory_space<vmem>>) dst(%dma_wait3A_111 : memref<10240x128xf32, #tpu.memory_space<vmem_shared>>)
              %add3A_112 = arith.constant 3 : i32
              %add3A_113 = arith.addi %mul3A_53, %add3A_112 : i32
              %dma_start3A_114 = arith.constant 0 : i32
              %dma_start3A_115 = tpu.memref_slice %arg7[%add3A_113, %dma_start3A_114] : memref<16x128xi32, #tpu.memory_space<vmem>> -> memref<1x128xi32, #tpu.memory_space<vmem>>
              %dma_start3A_116 = tpu.memref_squeeze %dma_start3A_115 : memref<1x128xi32, #tpu.memory_space<vmem>> -> memref<128xi32, #tpu.memory_space<vmem>>
              %dma_start3A_117 = arith.constant 0 : i32
              %dma_start3A_118 = arith.constant 0 : i32
              %dma_start3A_119 = tpu.memref_slice %arg2[%dma_start3A_117, %dma_start3A_118] : memref<10240x128xf32, #tpu.memory_space<hbm>> -> memref<10240x128xf32, #tpu.memory_space<hbm>>
              tpu.enqueue_indirect_dma source(%dma_start3A_119 : memref<10240x128xf32, #tpu.memory_space<hbm>>) target(%run_scoped3A_0 : memref<128x128xf32, #tpu.memory_space<vmem>>) offsets(%dma_start3A_116 : memref<128xi32, #tpu.memory_space<vmem>>) semaphore(%arg11 : memref<!tpu.dma_semaphore, #tpu.memory_space<semaphore_mem>>)
            } else {
            }
            %eq3A_85 = arith.constant 7 : i32
            %eq3A_86 = arith.cmpi eq, %add3A_51, %eq3A_85 : i32
            %convert_element_type3A_87 = arith.extui %eq3A_86 : i1 to i32
            %cond3A_88 = arith.constant 0 : i32
            %cond3A_89 = arith.cmpi ne, %convert_element_type3A_87, %cond3A_88 : i32
            scf.if %cond3A_89 {
              %dma_wait3A_90 = arith.constant 0 : i32
              %dma_wait3A_91 = tpu.memref_slice %arg8[%mul3A_53, %dma_wait3A_90] : memref<16x128xi32, #tpu.memory_space<vmem>> -> memref<1x128xi32, #tpu.memory_space<vmem>>
              %dma_wait3A_92 = tpu.memref_squeeze %dma_wait3A_91 : memref<1x128xi32, #tpu.memory_space<vmem>> -> memref<128xi32, #tpu.memory_space<vmem>>
              %dma_wait3A_93 = arith.constant 0 : i32
              %dma_wait3A_94 = arith.constant 0 : i32
              %dma_wait3A_95 = tpu.memref_slice %arg9[%dma_wait3A_93, %dma_wait3A_94] : memref<10240x128xf32, #tpu.memory_space<vmem_shared>> -> memref<10240x128xf32, #tpu.memory_space<vmem_shared>>
              tpu.wait_indirect_dma semaphore(%arg12 : memref<!tpu.dma_semaphore, #tpu.memory_space<semaphore_mem>>) src(%run_scoped3A : memref<128x128xf32, #tpu.memory_space<vmem>>) dst(%dma_wait3A_95 : memref<10240x128xf32, #tpu.memory_space<vmem_shared>>)
              %add3A_96 = arith.constant 1 : i32
              %add3A_97 = arith.addi %mul3A_53, %add3A_96 : i32
              %dma_wait3A_98 = arith.constant 0 : i32
              %dma_wait3A_99 = tpu.memref_slice %arg8[%add3A_97, %dma_wait3A_98] : memref<16x128xi32, #tpu.memory_space<vmem>> -> memref<1x128xi32, #tpu.memory_space<vmem>>
              %dma_wait3A_100 = tpu.memref_squeeze %dma_wait3A_99 : memref<1x128xi32, #tpu.memory_space<vmem>> -> memref<128xi32, #tpu.memory_space<vmem>>
              %dma_wait3A_101 = arith.constant 0 : i32
              %dma_wait3A_102 = arith.constant 0 : i32
              %dma_wait3A_103 = tpu.memref_slice %arg9[%dma_wait3A_101, %dma_wait3A_102] : memref<10240x128xf32, #tpu.memory_space<vmem_shared>> -> memref<10240x128xf32, #tpu.memory_space<vmem_shared>>
              tpu.wait_indirect_dma semaphore(%arg13 : memref<!tpu.dma_semaphore, #tpu.memory_space<semaphore_mem>>) src(%run_scoped3A_0 : memref<128x128xf32, #tpu.memory_space<vmem>>) dst(%dma_wait3A_103 : memref<10240x128xf32, #tpu.memory_space<vmem_shared>>)
            } else {
            }
          }
          %scan3A_46 = arith.constant 8 : i32
        }
        %scan3A_20 = arith.constant 2 : i32
      } else {
      }
      %barrier3A_9 = arith.constant 0 : index
      tpu.barrier barrier_id(%barrier3A_9)
      %mul3A_10 = arith.constant 640 : i32
      %mul3A_11 = arith.muli %arg1, %mul3A_10 : i32
      %mul3A_12 = arith.constant 640 : i32
      %mul3A_13 = arith.muli %arg1, %mul3A_12 : i32
      "tpu.region"() ({
        %run_scoped3A_14 = tpu.sem_alloc : memref<!tpu.dma_semaphore, #tpu.memory_space<semaphore_mem>>
        %dma_start3A = arith.constant 0 : i32
        %dma_start3A_15 = tpu.memref_slice %arg6[%arg0, %mul3A_13, %dma_start3A] : memref<2x10240x128xf32, #tpu.memory_space<hbm>> -> memref<1x640x128xf32, #tpu.memory_space<hbm>>
        %dma_start3A_16 = tpu.memref_squeeze %dma_start3A_15 : memref<1x640x128xf32, #tpu.memory_space<hbm>> -> memref<640x128xf32, #tpu.memory_space<hbm>>
        %dma_start3A_17 = arith.constant 0 : i32
        %dma_start3A_18 = tpu.memref_slice %arg9[%mul3A_11, %dma_start3A_17] : memref<10240x128xf32, #tpu.memory_space<vmem_shared>> -> memref<640x128xf32, #tpu.memory_space<vmem_shared>>
        tpu.enqueue_dma source(%dma_start3A_18 : memref<640x128xf32, #tpu.memory_space<vmem_shared>>) target(%dma_start3A_16 : memref<640x128xf32, #tpu.memory_space<hbm>>) target_semaphore(%run_scoped3A_14 : memref<!tpu.dma_semaphore, #tpu.memory_space<semaphore_mem>>)
        %dma_wait3A = arith.constant 0 : i32
        %dma_wait3A_19 = tpu.memref_slice %arg6[%arg0, %mul3A_13, %dma_wait3A] : memref<2x10240x128xf32, #tpu.memory_space<hbm>> -> memref<1x640x128xf32, #tpu.memory_space<hbm>>
        %dma_wait3A_20 = tpu.memref_squeeze %dma_wait3A_19 : memref<1x640x128xf32, #tpu.memory_space<hbm>> -> memref<640x128xf32, #tpu.memory_space<hbm>>
        %dma_wait3A_21 = arith.constant 0 : i32
        %dma_wait3A_22 = tpu.memref_slice %arg9[%mul3A_11, %dma_wait3A_21] : memref<10240x128xf32, #tpu.memory_space<vmem_shared>> -> memref<640x128xf32, #tpu.memory_space<vmem_shared>>
        tpu.wait_dma2 semaphore(%run_scoped3A_14 : memref<!tpu.dma_semaphore, #tpu.memory_space<semaphore_mem>>) src(%dma_wait3A_22 : memref<640x128xf32, #tpu.memory_space<vmem_shared>>) dst(%dma_wait3A_20 : memref<640x128xf32, #tpu.memory_space<hbm>>)
        tpu.yield
      }) : () -> ()
      tpu.yield
    }) : () -> ()
    return
  }
}

#map = affine_map<(d0, d1) -> (0, 0)>
#map1 = affine_map<(d0, d1) -> (0)>
module attributes {stable_mosaic.version = 14 : i64} {
  func.func @_degree_kernel(%arg0: i32, %arg1: i32, %arg2: memref<5120x128xi32, #tpu.memory_space<hbm>>, %arg3: memref<640xf32, #tpu.memory_space<hbm>>, %arg4: memref<2x10240xf32, #tpu.memory_space<hbm>>, %arg5: memref<160x128xi32, #tpu.memory_space<vmem>>, %arg6: memref<128xf32, #tpu.memory_space<vmem>>, %arg7: memref<10240xf32, #tpu.memory_space<vmem_shared>>) attributes {dimension_semantics = [#tpu.dimension_semantics<core_parallel>, #tpu.dimension_semantics<subcore_parallel>], iteration_bounds = array<i64: 2, 16>, scalar_prefetch = 0 : i64, scratch_operands = 3 : i64, tpu.core_type = #tpu.core_type<sc_vector_subcore>, window_params = [{transform_indices = #map}, {transform_indices = #map1}, {transform_indices = #map}]} {
    %mul3A = arith.constant 16 : i32
    %mul3A_0 = arith.muli %arg0, %mul3A : i32
    %add3A = arith.addi %mul3A_0, %arg1 : i32
    %scan3A = arith.constant 0 : i32
    %scan3A_1 = arith.constant 8 : i32
    %scan3A_2 = arith.addi %scan3A, %scan3A_1 : i32
    %scan3A_3 = arith.constant 1 : i32
    scf.for %scan3A_19 = %scan3A to %scan3A_2 step %scan3A_3  : i32 {
      %mul3A_20 = arith.constant 1 : i32
      %mul3A_21 = arith.muli %scan3A_19, %mul3A_20 : i32
      %add3A_22 = arith.constant 0 : i32
      %add3A_23 = arith.addi %add3A_22, %mul3A_21 : i32
      %broadcast_in_dim3A = arith.constant 1.000000e+00 : f32
      %broadcast_in_dim3A_24 = vector.broadcast %broadcast_in_dim3A : f32 to vector<16xf32>
      %mul3A_25 = arith.constant 16 : i32
      %mul3A_26 = arith.muli %add3A_23, %mul3A_25 : i32
      %swap3A = arith.index_cast %mul3A_26 : i32 to index
      %swap3A_27 = tpu.vector_load %arg6[%swap3A] {strides = array<i32>} : memref<128xf32, #tpu.memory_space<vmem>>, vector<16xf32>,
      %swap3A_28 = vector.shape_cast %swap3A_27 : vector<16xf32> to vector<16xf32>
      %swap3A_29 = vector.shape_cast %broadcast_in_dim3A_24 : vector<16xf32> to vector<16xf32>
      tpu.vector_store %arg6[%swap3A], %swap3A_29 {strides = array<i32>} : memref<128xf32, #tpu.memory_space<vmem>>, vector<16xf32>,
    }
    %scan3A_4 = arith.constant 8 : i32
    %mul3A_5 = arith.constant 640 : i32
    %mul3A_6 = arith.muli %arg1, %mul3A_5 : i32
    "tpu.region"() ({
      %run_scoped3A = tpu.sem_alloc : memref<!tpu.dma_semaphore, #tpu.memory_space<semaphore_mem>>
      %dma_start3A = tpu.memref_slice %arg7[%mul3A_6] : memref<10240xf32, #tpu.memory_space<vmem_shared>> -> memref<640xf32, #tpu.memory_space<vmem_shared>>
      tpu.enqueue_dma source(%arg3 : memref<640xf32, #tpu.memory_space<hbm>>) target(%dma_start3A : memref<640xf32, #tpu.memory_space<vmem_shared>>) target_semaphore(%run_scoped3A : memref<!tpu.dma_semaphore, #tpu.memory_space<semaphore_mem>>)
      %dma_wait3A = tpu.memref_slice %arg7[%mul3A_6] : memref<10240xf32, #tpu.memory_space<vmem_shared>> -> memref<640xf32, #tpu.memory_space<vmem_shared>>
      tpu.wait_dma2 semaphore(%run_scoped3A : memref<!tpu.dma_semaphore, #tpu.memory_space<semaphore_mem>>) src(%arg3 : memref<640xf32, #tpu.memory_space<hbm>>) dst(%dma_wait3A : memref<640xf32, #tpu.memory_space<vmem_shared>>)
      tpu.yield
    }) : () -> ()
    %mul3A_7 = arith.constant 160 : i32
    %mul3A_8 = arith.muli %add3A, %mul3A_7 : i32
    "tpu.region"() ({
      %run_scoped3A = tpu.sem_alloc : memref<!tpu.dma_semaphore, #tpu.memory_space<semaphore_mem>>
      %dma_start3A = arith.constant 0 : i32
      %dma_start3A_19 = tpu.memref_slice %arg2[%mul3A_8, %dma_start3A] : memref<5120x128xi32, #tpu.memory_space<hbm>> -> memref<160x128xi32, #tpu.memory_space<hbm>>
      %dma_start3A_20 = arith.constant 0 : i32
      %dma_start3A_21 = tpu.memref_slice %arg2[%mul3A_8, %dma_start3A_20] : memref<5120x128xi32, #tpu.memory_space<hbm>> -> memref<160x128xi32, #tpu.memory_space<hbm>>
      tpu.enqueue_dma source(%dma_start3A_21 : memref<160x128xi32, #tpu.memory_space<hbm>>) target(%arg5 : memref<160x128xi32, #tpu.memory_space<vmem>>) target_semaphore(%run_scoped3A : memref<!tpu.dma_semaphore, #tpu.memory_space<semaphore_mem>>)
      %dma_wait3A = arith.constant 0 : i32
      %dma_wait3A_22 = tpu.memref_slice %arg2[%mul3A_8, %dma_wait3A] : memref<5120x128xi32, #tpu.memory_space<hbm>> -> memref<160x128xi32, #tpu.memory_space<hbm>>
      %dma_wait3A_23 = arith.constant 0 : i32
      %dma_wait3A_24 = tpu.memref_slice %arg2[%mul3A_8, %dma_wait3A_23] : memref<5120x128xi32, #tpu.memory_space<hbm>> -> memref<160x128xi32, #tpu.memory_space<hbm>>
      tpu.wait_dma2 semaphore(%run_scoped3A : memref<!tpu.dma_semaphore, #tpu.memory_space<semaphore_mem>>) src(%dma_wait3A_24 : memref<160x128xi32, #tpu.memory_space<hbm>>) dst(%arg5 : memref<160x128xi32, #tpu.memory_space<vmem>>)
      tpu.yield
    }) : () -> ()
    %barrier3A = arith.constant 0 : index
    tpu.barrier barrier_id(%barrier3A)
    %scan3A_9 = arith.constant 0 : i32
    %scan3A_10 = arith.constant 160 : i32
    %scan3A_11 = arith.addi %scan3A_9, %scan3A_10 : i32
    %scan3A_12 = arith.constant 1 : i32
    scf.for %scan3A_19 = %scan3A_9 to %scan3A_11 step %scan3A_12  : i32 {
      %mul3A_20 = arith.constant 1 : i32
      %mul3A_21 = arith.muli %scan3A_19, %mul3A_20 : i32
      %add3A_22 = arith.constant 0 : i32
      %add3A_23 = arith.addi %add3A_22, %mul3A_21 : i32
      "tpu.region"() ({
        %run_scoped3A = tpu.sem_alloc : memref<!tpu.dma_semaphore, #tpu.memory_space<semaphore_mem>>
        %dma_start3A = arith.constant 0 : i32
        %dma_start3A_24 = tpu.memref_slice %arg5[%add3A_23, %dma_start3A] : memref<160x128xi32, #tpu.memory_space<vmem>> -> memref<1x128xi32, #tpu.memory_space<vmem>>
        %dma_start3A_25 = tpu.memref_squeeze %dma_start3A_24 : memref<1x128xi32, #tpu.memory_space<vmem>> -> memref<128xi32, #tpu.memory_space<vmem>>
        %dma_start3A_26 = arith.constant 0 : i32
        %dma_start3A_27 = tpu.memref_slice %arg7[%dma_start3A_26] : memref<10240xf32, #tpu.memory_space<vmem_shared>> -> memref<10240xf32, #tpu.memory_space<vmem_shared>>
        tpu.enqueue_indirect_dma source(%arg6 : memref<128xf32, #tpu.memory_space<vmem>>) target(%dma_start3A_27 : memref<10240xf32, #tpu.memory_space<vmem_shared>>) offsets(%dma_start3A_25 : memref<128xi32, #tpu.memory_space<vmem>>) semaphore(%run_scoped3A : memref<!tpu.dma_semaphore, #tpu.memory_space<semaphore_mem>>) {add = true}
        %dma_wait3A = arith.constant 0 : i32
        %dma_wait3A_28 = tpu.memref_slice %arg5[%add3A_23, %dma_wait3A] : memref<160x128xi32, #tpu.memory_space<vmem>> -> memref<1x128xi32, #tpu.memory_space<vmem>>
        %dma_wait3A_29 = tpu.memref_squeeze %dma_wait3A_28 : memref<1x128xi32, #tpu.memory_space<vmem>> -> memref<128xi32, #tpu.memory_space<vmem>>
        %dma_wait3A_30 = arith.constant 0 : i32
        %dma_wait3A_31 = tpu.memref_slice %arg7[%dma_wait3A_30] : memref<10240xf32, #tpu.memory_space<vmem_shared>> -> memref<10240xf32, #tpu.memory_space<vmem_shared>>
        tpu.wait_indirect_dma semaphore(%run_scoped3A : memref<!tpu.dma_semaphore, #tpu.memory_space<semaphore_mem>>) src(%arg6 : memref<128xf32, #tpu.memory_space<vmem>>) dst(%dma_wait3A_31 : memref<10240xf32, #tpu.memory_space<vmem_shared>>)
        tpu.yield
      }) : () -> ()
    }
    %scan3A_13 = arith.constant 160 : i32
    %barrier3A_14 = arith.constant 0 : index
    tpu.barrier barrier_id(%barrier3A_14)
    %mul3A_15 = arith.constant 640 : i32
    %mul3A_16 = arith.muli %arg1, %mul3A_15 : i32
    %mul3A_17 = arith.constant 640 : i32
    %mul3A_18 = arith.muli %arg1, %mul3A_17 : i32
    "tpu.region"() ({
      %run_scoped3A = tpu.sem_alloc : memref<!tpu.dma_semaphore, #tpu.memory_space<semaphore_mem>>
      %dma_start3A = tpu.memref_slice %arg4[%arg0, %mul3A_18] : memref<2x10240xf32, #tpu.memory_space<hbm>> -> memref<1x640xf32, #tpu.memory_space<hbm>>
      %dma_start3A_19 = tpu.memref_squeeze %dma_start3A : memref<1x640xf32, #tpu.memory_space<hbm>> -> memref<640xf32, #tpu.memory_space<hbm>>
      %dma_start3A_20 = tpu.memref_slice %arg7[%mul3A_16] : memref<10240xf32, #tpu.memory_space<vmem_shared>> -> memref<640xf32, #tpu.memory_space<vmem_shared>>
      tpu.enqueue_dma source(%dma_start3A_20 : memref<640xf32, #tpu.memory_space<vmem_shared>>) target(%dma_start3A_19 : memref<640xf32, #tpu.memory_space<hbm>>) target_semaphore(%run_scoped3A : memref<!tpu.dma_semaphore, #tpu.memory_space<semaphore_mem>>)
      %dma_wait3A = tpu.memref_slice %arg4[%arg0, %mul3A_18] : memref<2x10240xf32, #tpu.memory_space<hbm>> -> memref<1x640xf32, #tpu.memory_space<hbm>>
      %dma_wait3A_21 = tpu.memref_squeeze %dma_wait3A : memref<1x640xf32, #tpu.memory_space<hbm>> -> memref<640xf32, #tpu.memory_space<hbm>>
      %dma_wait3A_22 = tpu.memref_slice %arg7[%mul3A_16] : memref<10240xf32, #tpu.memory_space<vmem_shared>> -> memref<640xf32, #tpu.memory_space<vmem_shared>>
      tpu.wait_dma2 semaphore(%run_scoped3A : memref<!tpu.dma_semaphore, #tpu.memory_space<semaphore_mem>>) src(%dma_wait3A_22 : memref<640xf32, #tpu.memory_space<vmem_shared>>) dst(%dma_wait3A_21 : memref<640xf32, #tpu.memory_space<hbm>>)
      tpu.yield
    }) : () -> ()
    return
  }
}

module attributes {stable_mosaic.version = 14 : i64} {
  func.func @_scale_body(%arg0: memref<2x10240xf32, #tpu.memory_space<vmem>>, %arg1: memref<10240x128xf32, #tpu.memory_space<vmem>>, %arg2: memref<10240x128xf32, #tpu.memory_space<vmem>>, %arg3: memref<10240x1xf32, #tpu.memory_space<vmem>>) attributes {dimension_semantics = [], scalar_prefetch = 0 : i64, scratch_operands = 0 : i64, tpu.core_type = #tpu.core_type<tc>} {
    %get3A = arith.constant 0 : index
    %get3A_0 = arith.constant 0 : index
    %get3A_1 = vector.load %arg0[%get3A, %get3A_0] : memref<2x10240xf32, #tpu.memory_space<vmem>>, vector<1x10240xf32>
    %get3A_2 = vector.shape_cast %get3A_1 : vector<1x10240xf32> to vector<10240xf32>
    %get3A_3 = arith.constant 1 : index
    %get3A_4 = arith.constant 0 : index
    %get3A_5 = vector.load %arg0[%get3A_3, %get3A_4] : memref<2x10240xf32, #tpu.memory_space<vmem>>, vector<1x10240xf32>
    %get3A_6 = vector.shape_cast %get3A_5 : vector<1x10240xf32> to vector<10240xf32>
    %add3A = arith.addf %get3A_2, %get3A_6 : vector<10240xf32>
    %gt3A = arith.constant 0.000000e+00 : f32
    %gt3A_7 = vector.broadcast %gt3A : f32 to vector<10240xf32>
    %gt3A_8 = arith.cmpf ogt, %add3A, %gt3A_7 : vector<10240xf32>
    %max3A = arith.constant 1.000000e+00 : f32
    %max3A_9 = vector.broadcast %max3A : f32 to vector<10240xf32>
    %max3A_10 = arith.maximumf %add3A, %max3A_9 : vector<10240xf32>
    %rsqrt3A = math.rsqrt %max3A_10 : vector<10240xf32>
    %jit3A = arith.constant 0.000000e+00 : f32
    %broadcast_in_dim3A = vector.broadcast %jit3A : f32 to vector<10240xf32>
    %select_n3A = arith.select %gt3A_8, %rsqrt3A, %broadcast_in_dim3A : vector<10240xi1>, vector<10240xf32>
    %broadcast_in_dim3A_11 = vector.shape_cast %select_n3A : vector<10240xf32> to vector<10240x1xf32>
    %swap3A = arith.constant 0 : index
    %swap3A_12 = arith.constant 0 : index
    %swap3A_13 = vector.load %arg3[%swap3A, %swap3A_12] : memref<10240x1xf32, #tpu.memory_space<vmem>>, vector<10240x1xf32>
    tpu.vector_store %arg3[%swap3A, %swap3A_12], %broadcast_in_dim3A_11 {strides = array<i32>} : memref<10240x1xf32, #tpu.memory_space<vmem>>, vector<10240x1xf32>,
    %get3A_14 = arith.constant 0 : index
    %get3A_15 = arith.constant 0 : index
    %get3A_16 = vector.load %arg1[%get3A_14, %get3A_15] : memref<10240x128xf32, #tpu.memory_space<vmem>>, vector<10240x128xf32>
    %broadcast_in_dim3A_17 = vector.shape_cast %select_n3A : vector<10240xf32> to vector<10240x1xf32>
    %mul3A = vector.broadcast %broadcast_in_dim3A_17 : vector<10240x1xf32> to vector<10240x128xf32>
    %mul3A_18 = arith.mulf %get3A_16, %mul3A : vector<10240x128xf32>
    %swap3A_19 = arith.constant 0 : index
    %swap3A_20 = arith.constant 0 : index
    %swap3A_21 = vector.load %arg2[%swap3A_19, %swap3A_20] : memref<10240x128xf32, #tpu.memory_space<vmem>>, vector<10240x128xf32>
    tpu.vector_store %arg2[%swap3A_19, %swap3A_20], %mul3A_18 {strides = array<i32>} : memref<10240x128xf32, #tpu.memory_space<vmem>>, vector<10240x128xf32>,
    return
  }
}

module attributes {stable_mosaic.version = 14 : i64} {
  func.func @_final_body(%arg0: i32, %arg1: memref<1000x128xf32, #tpu.memory_space<vmem>>, %arg2: memref<2x1000x128xf32, #tpu.memory_space<vmem>>, %arg3: memref<1000x1xf32, #tpu.memory_space<vmem>>, %arg4: memref<128x128xf32, #tpu.memory_space<vmem>>, %arg5: memref<128xf32, #tpu.memory_space<vmem>>, %arg6: memref<1000x128xf32, #tpu.memory_space<vmem>>) attributes {dimension_semantics = [#tpu.dimension_semantics<arbitrary>], iteration_bounds = array<i64: 10>, scalar_prefetch = 0 : i64, scratch_operands = 0 : i64, tpu.core_type = #tpu.core_type<tc>, window_params = [{transform_indices = @transform_0, window_bounds = array<i64: 1000, 128>}, {transform_indices = @transform_1, window_bounds = array<i64: 2, 1000, 128>}, {transform_indices = @transform_2, window_bounds = array<i64: 1000, 1>}, {pipeline_mode = #tpu.pipeline_mode<synchronous>, transform_indices = @transform_3, window_bounds = array<i64: 128, 128>}, {pipeline_mode = #tpu.pipeline_mode<synchronous>, transform_indices = @transform_4, window_bounds = array<i64: 128>}, {transform_indices = @transform_5, window_bounds = array<i64: 1000, 128>}]} {
    %get3A = arith.constant 0 : index
    %get3A_0 = arith.constant 0 : index
    %get3A_1 = arith.constant 0 : index
    %get3A_2 = vector.load %arg2[%get3A, %get3A_0, %get3A_1] : memref<2x1000x128xf32, #tpu.memory_space<vmem>>, vector<1x1000x128xf32>
    %get3A_3 = vector.shape_cast %get3A_2 : vector<1x1000x128xf32> to vector<1000x128xf32>
    %get3A_4 = arith.constant 1 : index
    %get3A_5 = arith.constant 0 : index
    %get3A_6 = arith.constant 0 : index
    %get3A_7 = vector.load %arg2[%get3A_4, %get3A_5, %get3A_6] : memref<2x1000x128xf32, #tpu.memory_space<vmem>>, vector<1x1000x128xf32>
    %get3A_8 = vector.shape_cast %get3A_7 : vector<1x1000x128xf32> to vector<1000x128xf32>
    %add3A = arith.addf %get3A_3, %get3A_8 : vector<1000x128xf32>
    %get3A_9 = arith.constant 0 : index
    %get3A_10 = arith.constant 0 : index
    %get3A_11 = vector.load %arg1[%get3A_9, %get3A_10] : memref<1000x128xf32, #tpu.memory_space<vmem>>, vector<1000x128xf32>
    %get3A_12 = arith.constant 0 : index
    %get3A_13 = arith.constant 0 : index
    %get3A_14 = vector.load %arg3[%get3A_12, %get3A_13] : memref<1000x1xf32, #tpu.memory_space<vmem>>, vector<1000x1xf32>
    %mul3A = vector.broadcast %get3A_14 : vector<1000x1xf32> to vector<1000x128xf32>
    %mul3A_15 = arith.mulf %mul3A, %add3A : vector<1000x128xf32>
    %add3A_16 = arith.addf %get3A_11, %mul3A_15 : vector<1000x128xf32>
    %get3A_17 = arith.constant 0 : index
    %get3A_18 = arith.constant 0 : index
    %get3A_19 = vector.load %arg4[%get3A_17, %get3A_18] : memref<128x128xf32, #tpu.memory_space<vmem>>, vector<128x128xf32>
    %dot_general3A = arith.constant dense<0.000000e+00> : vector<1000x128xf32>
    %dot_general3A_20 = tpu.matmul %add3A_16, %get3A_19, %dot_general3A {dimension_numbers = #tpu.dot_dimension_numbers<[1], [1], [0], [0], [0, 0, 1, 0], [], []>, precision = #tpu.contract_precision<fp32>, transpose_lhs_hint = false} : vector<1000x128xf32>, vector<128x128xf32>, vector<1000x128xf32> -> vector<1000x128xf32>
    %get3A_21 = arith.constant 0 : index
    %get3A_22 = vector.load %arg5[%get3A_21] : memref<128xf32, #tpu.memory_space<vmem>>, vector<128xf32>
    %broadcast_in_dim3A = vector.shape_cast %get3A_22 : vector<128xf32> to vector<1x128xf32>
    %add3A_23 = vector.broadcast %broadcast_in_dim3A : vector<1x128xf32> to vector<1000x128xf32>
    %add3A_24 = arith.addf %dot_general3A_20, %add3A_23 : vector<1000x128xf32>
    %max3A = arith.constant 0.000000e+00 : f32
    %max3A_25 = vector.broadcast %max3A : f32 to vector<1000x128xf32>
    %max3A_26 = arith.maximumf %add3A_24, %max3A_25 : vector<1000x128xf32>
    %swap3A = arith.constant 0 : index
    %swap3A_27 = arith.constant 0 : index
    %swap3A_28 = vector.load %arg6[%swap3A, %swap3A_27] : memref<1000x128xf32, #tpu.memory_space<vmem>>, vector<1000x128xf32>
    tpu.vector_store %arg6[%swap3A, %swap3A_27], %max3A_26 {strides = array<i32>} : memref<1000x128xf32, #tpu.memory_space<vmem>>, vector<1000x128xf32>,
    return
  }
  func.func @transform_0(%arg0: i32) -> (i32, i32) {
    %c0_i32 = arith.constant 0 : i32
    %c0_i32_0 = arith.constant 0 : i32
    return %arg0, %c0_i32 : i32, i32
  }
  func.func @transform_1(%arg0: i32) -> (i32, i32, i32) {
    %c0_i32 = arith.constant 0 : i32
    %c0_i32_0 = arith.constant 0 : i32
    %c0_i32_1 = arith.constant 0 : i32
    return %c0_i32, %arg0, %c0_i32_0 : i32, i32, i32
  }
  func.func @transform_2(%arg0: i32) -> (i32, i32) {
    %c0_i32 = arith.constant 0 : i32
    %c0_i32_0 = arith.constant 0 : i32
    return %arg0, %c0_i32 : i32, i32
  }
  func.func @transform_3(%arg0: i32) -> (i32, i32) {
    %c0_i32 = arith.constant 0 : i32
    %c0_i32_0 = arith.constant 0 : i32
    %c0_i32_1 = arith.constant 0 : i32
    return %c0_i32, %c0_i32_0 : i32, i32
  }
  func.func @transform_4(%arg0: i32) -> i32 {
    %c0_i32 = arith.constant 0 : i32
    %c0_i32_0 = arith.constant 0 : i32
    return %c0_i32 : i32
  }
  func.func @transform_5(%arg0: i32) -> (i32, i32) {
    %c0_i32 = arith.constant 0 : i32
    %c0_i32_0 = arith.constant 0 : i32
    return %arg0, %c0_i32 : i32, i32
  }
}

</mosaic_0001>

<sc_bundles>
// kernel: kernel.6.cloned.1.call-start
scs
__scs_entry_jumppad:
0x0: {  	(pc) =	sbr.rel $0x88, $3  }
0x1: {  	(tag) =	ssettag $0x0;
	lr =	simm.s32 $0x1  }
0x2: {  	[smem:$0x3F9D] =	sst lr;
	_ =	strace $0xD0000000  }
0x3: {  	_ = 	snop  }
0x4: {  	_ = 	snop  }
0x5: {  	_ = 	snop  }
0x6: {  	_ = 	snop  }
0x7: {  	_ = 	snop  }
__scs_overlays_trampoline_lowered:
0x8: {  	[smem:$0x3FAC] =	sst s0  }
0x9: {  	[smem:$0x3FAD] =	sst s1  }
0xa: {  	[smem:$0x3FAE] =	sst s2  }
0xb: {  	[smem:$0x3FAF] =	sst s3  }
0xc: {  	[smem:$0x3FB0] =	sst s4  }
0xd: {  	[smem:$0x3FB1] =	sst s5  }
0xe: {  	[smem:$0x3FB2] =	sst s6  }
0xf: {  	[smem:$0x3FB3] =	sst s7  }
0x10: {  	[smem:$0x3FB4] =	sst s8  }
0x11: {  	[smem:$0x3FB5] =	sst s9;
	s0 =	simm.s32 @!p0 $0x0  }
0x12: {  	s1 =	sld [smem:$0x3F9B];
	s0 =	simm.s32 @p0 $0x1  }
0x13: {  	[smem:$0x3FB6] =	sst s0;
	s0 =	simm.s32 @!p1 $0x0  }
0x14: {  	s2 =	sld [smem:$0x3F9A];
	s0 =	simm.s32 @p1 $0x1  }
0x15: {  	[smem:$0x3FB7] =	sst s0;
	s0 =	simm.s32 @!p2 $0x0  }
0x16: {  	s3 =	sld [smem:$0x3FDB];
	s0 =	simm.s32 @p2 $0x1  }
0x17: {  	s4 =	simm.s32 $0x1BF5;
	[smem:$0x3FB9] =	sst s0  }
0x18: {  	s0 =	sld [smem:$0x3F9C];
	_ =	swait.ge [sflag:s4], $0x0  }
0x19: {  	s7 =	sld [smem:$0x3F9D]  }
0x1a: {  	s8 =	sadd.s32 $0xFFFFE003, lr  }
0x1b: {  	s9 =	sadd.s32 $0xFFFFFEF7, lr;
	s5 =	simm.s32 $0xFFFFFFFF;
	p2 =	slt.u32 s8, $0xFFFFF086  }
0x1c: {  	p1 =	slt.u32 s9, $0xF7A;
	s5 =	simm.s32 @!p2 $0x0  }
0x1d: {  	s5 =	simm.s32 @p1 $0x1;
	p0 =	seq.s32 s7, s2  }
0x1e: {  	s7 =	smul.u32 @!p0 $0xF7A, s2;
	p2 =	seq.s32 @!p0 s5, $0x0  }
0x1f: {  	s9 =	smul.u32 $0xF7A, s1;
	s8 =	simm.s32 @!p0 $0x1BF5;
	p2 =	por !p2, p0  }
0x20: {  	[sflag:s8] =	ssyncset.s32 @!p0 $0xFFFFF086;
	s6 =	sadd.s32 @!p0 s3, s7;
	s7 =	simm.s32 @!p0 $0x108  }
0x21: {  	s3 =	sadd.s32 s3, s9;
	s6 =	sadd.s32 @!p0 $0x88, s6;
	s7 =	simm.s32 @p2 $0x1082  }
0x22: {  	[simem:s7], [sflag:s8] =	dma.local @!p0 [hbm:s6], $0xF7A  }
0x23: {  	s9 =	sor.u32 $0xD0000000, s2;
	s6 =	simm.s32 $0x108;
	_ =	swait.ge @!p0 [sflag:s8], $0x0  }
0x24: {  	s3 =	sadd.s32 $0x88, s3;
	s6 =	simm.s32 @!p1 $0x1082;
	[sflag:s4] =	ssyncset.s32 $0xFFFFF086  }
0x25: {  	[simem:s6], [sflag:s4] =	dma.local [hbm:s3], $0xF7A  }
0x26: {  	[smem:$0x3F9D] =	sst s1;
	(tag) =	ssettag s2;
	_ =	strace s9  }
0x27: {  	s1 =	sld [smem:$0x3FAD]  }
0x28: {  	s2 =	sld [smem:$0x3FAE]  }
0x29: {  	s4 =	sld [smem:$0x3FB0]  }
0x2a: {  	p0 =	seq.s32 s5, $0x0;
	s5 =	sld [smem:$0x3FB1]  }
0x2b: {  	s6 =	sld [smem:$0x3FB2]  }
0x2c: {  	s7 =	sld [smem:$0x3FB3]  }
0x2d: {  	s3 =	simm.s32 $0x108;
	s8 =	sld [smem:$0x3FB4]  }
0x2e: {  	s3 =	simm.s32 @!p0 $0x1082;
	s9 =	sld [smem:$0x3FB5]  }
0x2f: {  	lr =	sadd.s32 s0, s3;
	s0 =	sld [smem:$0x3FAC]  }
0x30: {  	s3 =	sld [smem:$0x3FAF]  }
0x31: {  	[smem:$0x3FB8] =	sst s10  }
0x32: {  	s10 =	sld [smem:$0x3FB6];
	_ =	sdelay $0x3  }
0x33: {  	p0 =	seq.s32 s10, $0x1;
	s10 =	sld [smem:$0x3FB8];
	_ =	sdelay $0x3  }
0x34: {  	[smem:$0x3FB8] =	sst s10  }
0x35: {  	s10 =	sld [smem:$0x3FB7];
	_ =	sdelay $0x3  }
0x36: {  	p1 =	seq.s32 s10, $0x1;
	s10 =	sld [smem:$0x3FB8];
	_ =	sdelay $0x3  }
0x37: {  	[smem:$0x3FB8] =	sst s10  }
0x38: {  	s10 =	sld [smem:$0x3FB9]  }
0x39: {  	_ = 	snop;
	(pc) =	sbr.ind lr, $3  }
0x3a: {  	_ = 	snop  }
0x3b: {  	_ = 	snop  }
0x3c: {  	p2 =	seq.s32 s10, $0x1;
	s10 =	sld [smem:$0x3FB8]  }
0x3d: {  	_ =	shalt  }
0x3e: {  	_ =	shalt  }
0x3f: {  	_ =	shalt  }
0x40: {  	_ =	shalt  }
0x41: {  	_ =	shalt  }
0x42: {  	_ =	shalt  }
0x43: {  	_ =	shalt  }
0x44: {  	_ =	shalt  }
0x45: {  	_ =	shalt  }
0x46: {  	_ =	shalt  }
0x47: {  	_ =	shalt  }
0x48: {  	_ =	shalt  }
0x49: {  	_ =	shalt  }
0x4a: {  	_ =	shalt  }
0x4b: {  	_ =	shalt  }
0x4c: {  	_ =	shalt  }
0x4d: {  	_ =	shalt  }
0x4e: {  	_ =	shalt  }
0x4f: {  	_ =	shalt  }
0x50: {  	_ =	shalt  }
0x51: {  	_ =	shalt  }
0x52: {  	_ =	shalt  }
0x53: {  	_ =	shalt  }
0x54: {  	_ =	shalt  }
0x55: {  	_ =	shalt  }
0x56: {  	_ =	shalt  }
0x57: {  	_ =	shalt  }
0x58: {  	_ =	shalt  }
0x59: {  	_ =	shalt  }
0x5a: {  	_ =	shalt  }
0x5b: {  	_ =	shalt  }
0x5c: {  	_ =	shalt  }
0x5d: {  	_ =	shalt  }
0x5e: {  	_ =	shalt  }
0x5f: {  	_ =	shalt  }
0x60: {  	_ =	shalt  }
0x61: {  	_ =	shalt  }
0x62: {  	_ =	shalt  }
0x63: {  	_ =	shalt  }
0x64: {  	_ =	shalt  }
0x65: {  	_ =	shalt  }
0x66: {  	_ =	shalt  }
0x67: {  	_ =	shalt  }
0x68: {  	_ =	shalt  }
0x69: {  	_ =	shalt  }
0x6a: {  	_ =	shalt  }
0x6b: {  	_ =	shalt  }
0x6c: {  	_ =	shalt  }
0x6d: {  	_ =	shalt  }
0x6e: {  	_ =	shalt  }
0x6f: {  	_ =	shalt  }
0x70: {  	_ =	shalt  }
0x71: {  	_ =	shalt  }
0x72: {  	_ =	shalt  }
0x73: {  	_ =	shalt  }
0x74: {  	_ =	shalt  }
0x75: {  	_ =	shalt  }
0x76: {  	_ =	shalt  }
0x77: {  	_ =	shalt  }
0x78: {  	_ =	shalt  }
0x79: {  	_ =	shalt  }
0x7a: {  	_ =	shalt  }
0x7b: {  	_ =	shalt  }
0x7c: {  	_ =	shalt  }
0x7d: {  	_ =	shalt  }
0x7e: {  	_ =	shalt  }
0x7f: {  	_ =	shalt  }
0x80: {  	_ =	shalt  }
0x81: {  	_ =	shalt  }
0x82: {  	_ =	shalt  }
0x83: {  	_ =	shalt  }
0x84: {  	_ =	shalt  }
0x85: {  	_ =	shalt  }
0x86: {  	_ =	shalt  }
0x87: {  	_ =	shalt  }
.Lfunc_end0:
.L_simem_size_0:
called_computation_lowered:
.L_overlay_start_0:
0x88: {  	s2 =	sld [smem:$0x3FD9]  }
0x89: {  	s3 =	sld [smem:$0x3FFE];
	_ =	sdelay $0x1  }
0x8a: {  	s1 =	srdreg.scid  }
0x8b: {  	s0 =	sand.u32 $0x1, s1  }
0x8c: {  	s16 =	sshll.u32 s0, $0xA;
	s2 =	sadd.s32 s3, s2  }
0x8d: {  	s2 =	sadd.s32 s2, s16  }
0x8e: {  	[smem:$0x3FC4] =	sst s2  }
0x8f: {  	_ = 	snop  }
0x90: {  	(tm) =	ssettm $0x1  }
0x91: {  	s17 =	sld [smem:$0x3FFB];
	_ =	sdelay $0x3  }
0x92: {  	_ =	strace s17  }
0x93: {  	s2 =	sld [smem:$0x3FFC];
	_ =	sdelay $0x3  }
0x94: {  	_ =	strace s2  }
0x95: {  	s2 =	sld [smem:$0x3FFD];
	_ =	sdelay $0x3  }
0x96: {  	_ =	strace s2  }
0x97: {  	_ =	strace $0x8FFFFFFF  }
0x98: {  	s18 =	sld [smem:$0x3FDB];
	_ =	sdelay $0x1  }
0x99: {  	s19 =	simm.s32 $_scs_section_size  }
0x9a: {  	s4 =	simm.s32 $_size__tile_overlayer_lowered;
	s5 =	simm.s32 $_tile_overlayer_lowered  }
0x9b: {  	s22 =	simm.s32 $0x1BFF;
	s21 =	sshll.u32 s5, $0x1;
	s2 =	sadd.s32 s19, s18  }
0x9c: {  	s6 =	simm.s32 $0x0;
	s20 =	sshll.u32 s4, $0x1;
	s4 =	sadd.s32 s21, s2  }
0x9d: {  	[timem:s6], [sflag:s22] =	dma.local [hbm:s4], s20  }
0x9e: {  	_ =	swait.ge [sflag:s22], s20  }
0x9f: {  	s3 =	ssub.s32 $0x0, s20;
	[sflag:s22] =	ssyncset.done $0x0  }
0xa0: {  	[sflag:s22] =	ssyncadd.s32 s3;
	_ =	sdelay $0x1  }
0xa1: {  	s23 =	simm.s32 $0x1B8B  }
0xa2: {  	_ =	swait.ge [sflag:s23], $0x1  }
0xa3: {  	[sflag:s23] =	ssyncset.done $0x0  }
0xa4: {  	s25 =	simm.s32 $0x1B8E;
	s24 =	sld [smem:$0x3FFE];
	[sflag:s23] =	ssyncadd.s32 $0xFFFFFFFF  }
0xa5: {  	s26 =	simm.s32 $execute0_lowered;
	[smem:$0x3FD2] =	sst s25  }
0xa6: {  	s4 =	sshll.u32 s26, $0x1;
	_ =	strace $0x80000046;
	[dreg:$0x1] =	wrdreg $0xFFFFFFFF  }
0xa7: {  	s28 =	simm.s32 $_size_execute0_lowered;
	s2 =	sadd.s32 s2, s4;
	[dreg:$0x0] =	wrdreg $0x0  }
0xa8: {  	s4 =	sshll.u32 s28, $0x1;
	[dreg:$0x2] =	wrdreg s2  }
0xa9: {  	[dreg:$0x3] =	wrdreg s4  }
0xaa: {  	[dreg:$0x4] =	wrdreg $0xC0  }
0xab: {  	_ =	task [dreg:s6], $0x5FFFF  }
0xac: {  	[dreg:$0x1] =	wrdreg $0xFFFFFFFF  }
0xad: {  	[dreg:$0x0] =	wrdreg $0x60  }
0xae: {  	[dreg:$0x2] =	wrdreg s24  }
0xaf: {  	[dreg:$0x3] =	wrdreg $0x50800  }
0xb0: {  	[dreg:$0x4] =	wrdreg $0x9  }
0xb1: {  	_ =	task.clear_ibuf [dreg:s6], $0x5FFFF;
	_ =	strace $0x90000046  }
0xb2: {  	s29 =	simm.s32 $0x9;
	_ =	strace $0x80000048  }
0xb3: {  	_ =	swait.ge [sflag:s29], $0x1  }
0xb4: {  	[sflag:s29] =	ssyncadd.s32 $0xFFFFFFFF  }
0xb5: {  	_ =	strace $0x90000048  }
0xb6: {  	_ =	sfence  }
0xb7: {  	s30 =	sld [smem:$0x0];
	_ =	sdelay $0x2  }
0xb8: {  	s31 =	sshll.u32 s1, $0xD;
	s1 =	sshrl.u32 s1, $0x2  }
0xb9: {  	s3 =	sand.u32 $0x4000, s31;
	s1 =	sadd.s32 s1, s30  }
0xba: {  	s0 =	sor.u32 s3, s0;
	s1 =	sshll.u32 s1, $0x11  }
0xbb: {  	s0 =	sor.u32 s1, s0  }
0xbc: {  	s0 =	sadd.s32 $0x8F2B, s0  }
0xbd: {  	[sflag:s0] =	ssyncadd.remote.s32 $0x1  }
0xbe: {  	_ =	sfence.sel $0xFFFF  }
0xbf: {  	[dreg:$0x0] =	wrdreg $0xFFFFFFFF;
	(pc) =	sbr.abs _section_cstart, $3  }
0xc0: {  	[dreg:$0x1] =	wrdreg $0xFFFFFFFF  }
0xc1: {  	_ =	task.clear_ibuf [dreg:s6], $0x2FFFF;
	_ =	strace $0x9FFFFFFF  }
0xc2: {  	(tm) =	ssettm $0x7FFFFFFF  }
0xc3: {  	_ =	shalt  }
tec
execute0_lowered:
.L_overlay_start_1:
0x0: {  	(tag) =	ssettag $0x1  }
0x1: {  	s5 =	rddreg [dreg:$0x0]  }
0x2: {  	s0 =	srdreg.scid;
	s2 =	rddreg [dreg:$0x1];
	s3 =	simm.s32 $0x0  }
0x3: {  	s11 =	simm.s32 $0x80;
	s12 =	simm.s32 $0x5000;
	s13 =	simm.s32 $0x20  }
0x4: {  	s14 =	simm.s32 $0x10;
	s15 =	simm.s32 $0x0;
	s4 =	sand.u32 $0x1, s0  }
0x5: {  	s0 =	stileid.u32;
	[smem:$0x7FF] =	sst s3;
	s1 =	sshll.u32 s4, $0x4  }
0x6: {  	s7 =	smul.u32 $0x500, s0;
	s8 =	sshll.u32 s4, $0x7;
	s28 =	ssub.s32 $0x2, s4  }
0x7: {  	s9 =	smul.u32 $0xA00, s0;
	s4 =	sadd.s32 $0x15600, s5;
	s1 =	sor.u32 s0, s1  }
0x8: {  	s31 =	sshll.u32 s0, $0x6;
	s29 =	sshrl.u32 s28, $0x1;
	s6 =	smul.u32 $0xA00, s1  }
0x9: {  	s1 =	rddreg [dreg:$0x2];
	_ =	strace $0x80000047;
	s7 =	sor.u32 s8, s7  }
0xa: {  	s8 =	ssub.s32 s28, s29;
	s30 =	sshrl.u32 s9, $0x2;
	s7 =	sshrl.u32 s7, $0x3  }
0xb: {  	s10 =	sadd.s32 s30, s2;
	s8 =	smax.u32 s8, $0x1;
	s6 =	sadd.s32 s6, s5  }
0xc: {  	s7 =	sadd.s32 s7, s5;
	s5 =	sor.u32 $0x1C01, s31;
	s9 =	sshrl.u32 s10, $0x3  }
0xd: {  	v0 =	vimm.f32 $1.000000000e+00;
	s10 =	simm.s32 $0x1;
	s6 =	sadd.s32 $0x1600, s6;
	s7 =	sadd.s32 $0x15800, s7  }
.LBB2_1:
0xe: {  	[tilespmem:$0x5000] =	vst v0  }
0xf: {  	[tilespmem:$0x5010] =	vst v0  }
0x10: {  	[tilespmem:$0x5020] =	vst v0  }
0x11: {  	[tilespmem:$0x5030] =	vst v0  }
0x12: {  	[tilespmem:$0x5040] =	vst v0  }
0x13: {  	[tilespmem:$0x5050] =	vst v0  }
0x14: {  	[tilespmem:$0x5060] =	vst v0  }
0x15: {  	[tilespmem:$0x5070] =	vst v0  }
0x16: {  	[spmem:s9], [sflag:s5] =	dma.local [hbm:s4], $0x50  }
0x17: {  	_ =	swait.ge [sflag:s10], $0x50  }
0x18: {  	[sflag:s10] =	ssyncset.done $0x0  }
0x19: {  	[sflag:s10] =	ssyncadd.s32 $0xFFFFFFB0  }
0x1a: {  	[tilespmem:s3], [sflag:$0x1] =	stream.linear.gather [hbm4b:s6+s3], $0x5000, $0x38;
	[tilespmem:$0x5300] =	vst v63  }
0x1b: {  	_ =	swait.ge [sflag:s10], $0x5000  }
0x1c: {  	[sflag:s10] =	ssyncset.done $0x0  }
0x1d: {  	[sflag:s10] =	ssyncadd.s32 $0xFFFFB000  }
0x1e: {  	s16 =	simm.s32 $0x0;
	[bflag:$0x0] =	sbarrier.arrive $0xFFFF  }
0x1f: {  	[spmem:s2] =	stream.indirect.scatter.add.f32 [tilespmem:s12], [sflag:$0x1], $0x1, s16, s11, $0xb8;
	[tilespmem:$0x5300] =	vst v63  }
0x20: {  	_ =	swait.ge [sflag:s10], $0x80  }
0x21: {  	s16 =	simm.s32 $0x200;
	[sflag:s10] =	ssyncset.done $0x0  }
.LBB2_2:
0x22: {  	s17 =	sshra.s32 s16, $0x2;
	[sflag:s10] =	ssyncadd.s32 $0xFFFFFF80;
	p0 =	sne.s32 s16, $0x13E00  }
0x23: {  	[spmem:s2] =	stream.indirect.scatter.add.f32 [tilespmem:s12], [sflag:$0x1], $0x1, s17, s11, $0xb8;
	[tilespmem:$0x5300] =	vst v63  }
.Ltmp0:
0x24: {  	_ = 	snop;
	(pc) =	sbr.rel @p0 .LBB2_2-.Ltmp0, $4  }
0x25: {  	_ = 	snop  }
0x26: {  	s16 =	sadd.s32 $0x200, s16  }
0x27: {  	_ =	swait.ge [sflag:s10], $0x80  }
0x28: {  	[sflag:s10] =	ssyncset.done $0x0  }
0x29: {  	s15 =	sadd.s32 $0x1, s15  }
0x2a: {  	[sflag:s10] =	ssyncadd.s32 $0xFFFFFF80;
	p0 =	sne.s32 s15, s8  }
.Ltmp1:
0x2b: {  	[bflag:$0x0] =	sbarrier.arrive $0xFFFF;
	(pc) =	sbr.rel @p0 .LBB2_1-.Ltmp1, $4  }
0x2c: {  	[hbm:s7@s13], [sflag:s5] =	dma.strided [spmem:s9@s14], $0x50, s10, $0x10   }
0x2d: {  	_ =	swait.ge [sflag:s10], $0x50  }
0x2e: {  	[sflag:s10] =	ssyncset.done $0x0  }
0x2f: {  	[sflag:s10] =	ssyncadd.s32 $0xFFFFFFB0  }
0x30: {  	_ =	sfence.sel $0x180000  }
0x31: {  	[bflag:$0x0] =	sbarrier.arrive $0xFFFF  }
0x32: {  	p0 =	sne.s32 s0, $0x0;
	_ =	strace $0x90000047  }
0x33: {  	s0 =	sadd.s32 @!p0 $0x100000, s1;
	[bflag:$0x2] =	sbarrier.arrive $0xFFFF  }
0x34: {  	[sflag:s0] =	ssyncadd.tile.s32 @!p0 $0x1;
	_ =	shalt  }
.Lfunc_end2:
_tile_overlayer_lowered:
.L_overlay_start_2:
0x35: {  	(tag) =	ssettag $0x2  }
0x36: {  	s0 =	rddreg [dreg:$0x0];
	s2 =	stileid.u32  }
0x37: {  	s1 =	rddreg [dreg:$0x1];
	p0 =	sne.s32 s2, $0x0  }
0x38: {  	s3 =	rddreg [dreg:$0x2];
	[bflag:$0x3] =	sbarrier.arrive $0xFFFF;
	s2 =	simm.s32 @!p0 $0x1C01  }
0x39: {  	[timem:s3], [sflag:s2] =	dma.local @!p0 [hbm:s0], s1  }
0x3a: {  	s0 =	simm.s32 @!p0 $0x1  }
0x3b: {  	_ =	swait.ge @!p0 [sflag:s0], s1  }
0x3c: {  	s1 =	ssub.s32 @!p0 $0x0, s1;
	[sflag:s0] =	ssyncset.done @!p0 $0x0  }
0x3d: {  	[sflag:s0] =	ssyncadd.s32 @!p0 s1  }
0x3e: {  	[bflag:$0x3] =	sbarrier.arrive $0xFFFF  }
0x3f: {  	_ =	shalt  }

// kernel: kernel.9.cloned.1.call-start
scs
__scs_entry_jumppad:
0x0: {  	(pc) =	sbr.rel $0x88, $3  }
0x1: {  	(tag) =	ssettag $0x0;
	lr =	simm.s32 $0x1  }
0x2: {  	[smem:$0x3F9D] =	sst lr;
	_ =	strace $0xD0000000  }
0x3: {  	_ = 	snop  }
0x4: {  	_ = 	snop  }
0x5: {  	_ = 	snop  }
0x6: {  	_ = 	snop  }
0x7: {  	_ = 	snop  }
__scs_overlays_trampoline_lowered:
0x8: {  	[smem:$0x3FAC] =	sst s0  }
0x9: {  	[smem:$0x3FAD] =	sst s1  }
0xa: {  	[smem:$0x3FAE] =	sst s2  }
0xb: {  	[smem:$0x3FAF] =	sst s3  }
0xc: {  	[smem:$0x3FB0] =	sst s4  }
0xd: {  	[smem:$0x3FB1] =	sst s5  }
0xe: {  	[smem:$0x3FB2] =	sst s6  }
0xf: {  	[smem:$0x3FB3] =	sst s7  }
0x10: {  	[smem:$0x3FB4] =	sst s8  }
0x11: {  	[smem:$0x3FB5] =	sst s9;
	s0 =	simm.s32 @!p0 $0x0  }
0x12: {  	s1 =	sld [smem:$0x3F9B];
	s0 =	simm.s32 @p0 $0x1  }
0x13: {  	[smem:$0x3FB6] =	sst s0;
	s0 =	simm.s32 @!p1 $0x0  }
0x14: {  	s2 =	sld [smem:$0x3F9A];
	s0 =	simm.s32 @p1 $0x1  }
0x15: {  	[smem:$0x3FB7] =	sst s0;
	s0 =	simm.s32 @!p2 $0x0  }
0x16: {  	s3 =	sld [smem:$0x3FDB];
	s0 =	simm.s32 @p2 $0x1  }
0x17: {  	s4 =	simm.s32 $0x1BF5;
	[smem:$0x3FB9] =	sst s0  }
0x18: {  	s0 =	sld [smem:$0x3F9C];
	_ =	swait.ge [sflag:s4], $0x0  }
0x19: {  	s7 =	sld [smem:$0x3F9D]  }
0x1a: {  	s8 =	sadd.s32 $0xFFFFE003, lr  }
0x1b: {  	s9 =	sadd.s32 $0xFFFFFEF7, lr;
	s5 =	simm.s32 $0xFFFFFFFF;
	p2 =	slt.u32 s8, $0xFFFFF086  }
0x1c: {  	p1 =	slt.u32 s9, $0xF7A;
	s5 =	simm.s32 @!p2 $0x0  }
0x1d: {  	s5 =	simm.s32 @p1 $0x1;
	p0 =	seq.s32 s7, s2  }
0x1e: {  	s7 =	smul.u32 @!p0 $0xF7A, s2;
	p2 =	seq.s32 @!p0 s5, $0x0  }
0x1f: {  	s9 =	smul.u32 $0xF7A, s1;
	s8 =	simm.s32 @!p0 $0x1BF5;
	p2 =	por !p2, p0  }
0x20: {  	[sflag:s8] =	ssyncset.s32 @!p0 $0xFFFFF086;
	s6 =	sadd.s32 @!p0 s3, s7;
	s7 =	simm.s32 @!p0 $0x108  }
0x21: {  	s3 =	sadd.s32 s3, s9;
	s6 =	sadd.s32 @!p0 $0x88, s6;
	s7 =	simm.s32 @p2 $0x1082  }
0x22: {  	[simem:s7], [sflag:s8] =	dma.local @!p0 [hbm:s6], $0xF7A  }
0x23: {  	s9 =	sor.u32 $0xD0000000, s2;
	s6 =	simm.s32 $0x108;
	_ =	swait.ge @!p0 [sflag:s8], $0x0  }
0x24: {  	s3 =	sadd.s32 $0x88, s3;
	s6 =	simm.s32 @!p1 $0x1082;
	[sflag:s4] =	ssyncset.s32 $0xFFFFF086  }
0x25: {  	[simem:s6], [sflag:s4] =	dma.local [hbm:s3], $0xF7A  }
0x26: {  	[smem:$0x3F9D] =	sst s1;
	(tag) =	ssettag s2;
	_ =	strace s9  }
0x27: {  	s1 =	sld [smem:$0x3FAD]  }
0x28: {  	s2 =	sld [smem:$0x3FAE]  }
0x29: {  	s4 =	sld [smem:$0x3FB0]  }
0x2a: {  	p0 =	seq.s32 s5, $0x0;
	s5 =	sld [smem:$0x3FB1]  }
0x2b: {  	s6 =	sld [smem:$0x3FB2]  }
0x2c: {  	s7 =	sld [smem:$0x3FB3]  }
0x2d: {  	s3 =	simm.s32 $0x108;
	s8 =	sld [smem:$0x3FB4]  }
0x2e: {  	s3 =	simm.s32 @!p0 $0x1082;
	s9 =	sld [smem:$0x3FB5]  }
0x2f: {  	lr =	sadd.s32 s0, s3;
	s0 =	sld [smem:$0x3FAC]  }
0x30: {  	s3 =	sld [smem:$0x3FAF]  }
0x31: {  	[smem:$0x3FB8] =	sst s10  }
0x32: {  	s10 =	sld [smem:$0x3FB6];
	_ =	sdelay $0x3  }
0x33: {  	p0 =	seq.s32 s10, $0x1;
	s10 =	sld [smem:$0x3FB8];
	_ =	sdelay $0x3  }
0x34: {  	[smem:$0x3FB8] =	sst s10  }
0x35: {  	s10 =	sld [smem:$0x3FB7];
	_ =	sdelay $0x3  }
0x36: {  	p1 =	seq.s32 s10, $0x1;
	s10 =	sld [smem:$0x3FB8];
	_ =	sdelay $0x3  }
0x37: {  	[smem:$0x3FB8] =	sst s10  }
0x38: {  	s10 =	sld [smem:$0x3FB9]  }
0x39: {  	_ = 	snop;
	(pc) =	sbr.ind lr, $3  }
0x3a: {  	_ = 	snop  }
0x3b: {  	_ = 	snop  }
0x3c: {  	p2 =	seq.s32 s10, $0x1;
	s10 =	sld [smem:$0x3FB8]  }
0x3d: {  	_ =	shalt  }
0x3e: {  	_ =	shalt  }
0x3f: {  	_ =	shalt  }
0x40: {  	_ =	shalt  }
0x41: {  	_ =	shalt  }
0x42: {  	_ =	shalt  }
0x43: {  	_ =	shalt  }
0x44: {  	_ =	shalt  }
0x45: {  	_ =	shalt  }
0x46: {  	_ =	shalt  }
0x47: {  	_ =	shalt  }
0x48: {  	_ =	shalt  }
0x49: {  	_ =	shalt  }
0x4a: {  	_ =	shalt  }
0x4b: {  	_ =	shalt  }
0x4c: {  	_ =	shalt  }
0x4d: {  	_ =	shalt  }
0x4e: {  	_ =	shalt  }
0x4f: {  	_ =	shalt  }
0x50: {  	_ =	shalt  }
0x51: {  	_ =	shalt  }
0x52: {  	_ =	shalt  }
0x53: {  	_ =	shalt  }
0x54: {  	_ =	shalt  }
0x55: {  	_ =	shalt  }
0x56: {  	_ =	shalt  }
0x57: {  	_ =	shalt  }
0x58: {  	_ =	shalt  }
0x59: {  	_ =	shalt  }
0x5a: {  	_ =	shalt  }
0x5b: {  	_ =	shalt  }
0x5c: {  	_ =	shalt  }
0x5d: {  	_ =	shalt  }
0x5e: {  	_ =	shalt  }
0x5f: {  	_ =	shalt  }
0x60: {  	_ =	shalt  }
0x61: {  	_ =	shalt  }
0x62: {  	_ =	shalt  }
0x63: {  	_ =	shalt  }
0x64: {  	_ =	shalt  }
0x65: {  	_ =	shalt  }
0x66: {  	_ =	shalt  }
0x67: {  	_ =	shalt  }
0x68: {  	_ =	shalt  }
0x69: {  	_ =	shalt  }
0x6a: {  	_ =	shalt  }
0x6b: {  	_ =	shalt  }
0x6c: {  	_ =	shalt  }
0x6d: {  	_ =	shalt  }
0x6e: {  	_ =	shalt  }
0x6f: {  	_ =	shalt  }
0x70: {  	_ =	shalt  }
0x71: {  	_ =	shalt  }
0x72: {  	_ =	shalt  }
0x73: {  	_ =	shalt  }
0x74: {  	_ =	shalt  }
0x75: {  	_ =	shalt  }
0x76: {  	_ =	shalt  }
0x77: {  	_ =	shalt  }
0x78: {  	_ =	shalt  }
0x79: {  	_ =	shalt  }
0x7a: {  	_ =	shalt  }
0x7b: {  	_ =	shalt  }
0x7c: {  	_ =	shalt  }
0x7d: {  	_ =	shalt  }
0x7e: {  	_ =	shalt  }
0x7f: {  	_ =	shalt  }
0x80: {  	_ =	shalt  }
0x81: {  	_ =	shalt  }
0x82: {  	_ =	shalt  }
0x83: {  	_ =	shalt  }
0x84: {  	_ =	shalt  }
0x85: {  	_ =	shalt  }
0x86: {  	_ =	shalt  }
0x87: {  	_ =	shalt  }
.Lfunc_end0:
.L_simem_size_0:
called_computation.1_lowered:
.L_overlay_start_0:
0x88: {  	s2 =	sld [smem:$0x3FD9]  }
0x89: {  	s3 =	sld [smem:$0x3FFE];
	_ =	sdelay $0x1  }
0x8a: {  	s1 =	srdreg.scid  }
0x8b: {  	s0 =	sand.u32 $0x1, s1  }
0x8c: {  	s17 =	sshll.u32 s0, $0xA;
	s2 =	sadd.s32 s3, s2  }
0x8d: {  	s2 =	sadd.s32 s2, s17  }
0x8e: {  	[smem:$0x3FC4] =	sst s2  }
0x8f: {  	_ = 	snop  }
0x90: {  	s2 =	sld [smem:$0x3FD0];
	(tm) =	ssettm $0x1  }
0x91: {  	s18 =	sld [smem:$0x3FFB];
	_ =	sdelay $0x3  }
0x92: {  	_ =	strace s18  }
0x93: {  	s3 =	sld [smem:$0x3FFC];
	_ =	sdelay $0x3  }
0x94: {  	_ =	strace s3  }
0x95: {  	s3 =	sld [smem:$0x3FFD];
	_ =	sdelay $0x3  }
0x96: {  	_ =	strace s3  }
0x97: {  	_ =	strace $0x8FFFFFFF  }
0x98: {  	s19 =	sld [smem:$0x3FDB];
	_ =	sdelay $0x1  }
0x99: {  	s4 =	simm.s32 $_scs_section_size  }
0x9a: {  	s5 =	simm.s32 $_size__tile_overlayer_lowered;
	s6 =	simm.s32 $_tile_overlayer_lowered  }
0x9b: {  	s22 =	simm.s32 $0x1BFF;
	s21 =	sshll.u32 s6, $0x1;
	s3 =	sadd.s32 s4, s19  }
0x9c: {  	s7 =	simm.s32 $0x0;
	s20 =	sshll.u32 s5, $0x1;
	s5 =	sadd.s32 s21, s3  }
0x9d: {  	[timem:s7], [sflag:s22] =	dma.local [hbm:s5], s20  }
0x9e: {  	_ =	swait.ge [sflag:s22], s20  }
0x9f: {  	s4 =	ssub.s32 $0x0, s20;
	[sflag:s22] =	ssyncset.done $0x0  }
0xa0: {  	[sflag:s22] =	ssyncadd.s32 s4;
	_ =	sdelay $0x1  }
0xa1: {  	s23 =	simm.s32 $0x1B8B  }
0xa2: {  	_ =	swait.ge [sflag:s23], $0x1  }
0xa3: {  	[sflag:s23] =	ssyncset.done $0x0  }
0xa4: {  	s25 =	simm.s32 $0x1B8E;
	s24 =	sld [smem:$0x3FFE];
	[sflag:s23] =	ssyncadd.s32 $0xFFFFFFFF  }
0xa5: {  	s26 =	simm.s32 $execute0_lowered;
	[smem:$0x3FD2] =	sst s25  }
0xa6: {  	s5 =	sshll.u32 s26, $0x1;
	_ =	strace $0x80000049;
	[dreg:$0x1] =	wrdreg $0xFFFFFFFF  }
0xa7: {  	s28 =	simm.s32 $_size_execute0_lowered;
	s3 =	sadd.s32 s3, s5;
	[dreg:$0x0] =	wrdreg $0x0  }
0xa8: {  	s5 =	sshll.u32 s28, $0x1;
	[dreg:$0x2] =	wrdreg s3  }
0xa9: {  	[dreg:$0x3] =	wrdreg s5  }
0xaa: {  	[dreg:$0x4] =	wrdreg $0xC0  }
0xab: {  	_ =	task [dreg:s7], $0x5FFFF  }
0xac: {  	[dreg:$0x1] =	wrdreg $0xFFFFFFFF  }
0xad: {  	[dreg:$0x0] =	wrdreg $0x60  }
0xae: {  	[dreg:$0x2] =	wrdreg s24  }
0xaf: {  	[dreg:$0x3] =	wrdreg s2  }
0xb0: {  	[dreg:$0x4] =	wrdreg $0x10000  }
0xb1: {  	[dreg:$0x5] =	wrdreg $0x9  }
0xb2: {  	_ =	task.clear_ibuf [dreg:s7], $0x6FFFF;
	_ =	strace $0x90000049  }
0xb3: {  	s29 =	simm.s32 $0x9;
	_ =	strace $0x8000004B  }
0xb4: {  	_ =	swait.ge [sflag:s29], $0x1  }
0xb5: {  	[sflag:s29] =	ssyncadd.s32 $0xFFFFFFFF  }
0xb6: {  	_ =	strace $0x9000004B  }
0xb7: {  	_ =	sfence  }
0xb8: {  	s30 =	sld [smem:$0x0];
	_ =	sdelay $0x2  }
0xb9: {  	s31 =	sshll.u32 s1, $0xD;
	s1 =	sshrl.u32 s1, $0x2  }
0xba: {  	s3 =	sand.u32 $0x4000, s31;
	s1 =	sadd.s32 s1, s30  }
0xbb: {  	s0 =	sor.u32 s3, s0;
	s1 =	sshll.u32 s1, $0x11  }
0xbc: {  	s0 =	sor.u32 s1, s0  }
0xbd: {  	s0 =	sadd.s32 $0x8F2B, s0  }
0xbe: {  	[sflag:s0] =	ssyncadd.remote.s32 $0x1  }
0xbf: {  	_ =	sfence.sel $0xFFFF  }
0xc0: {  	[dreg:$0x0] =	wrdreg $0xFFFFFFFF;
	(pc) =	sbr.abs _section_cstart, $3  }
0xc1: {  	[dreg:$0x1] =	wrdreg $0xFFFFFFFF  }
0xc2: {  	_ =	task.clear_ibuf [dreg:s7], $0x2FFFF;
	_ =	strace $0x9FFFFFFF  }
0xc3: {  	(tm) =	ssettm $0x7FFFFFFF  }
tec
execute0_lowered:
.L_overlay_start_1:
0x0: {  	(tag) =	ssettag $0x1  }
0x1: {  	s0 =	rddreg [dreg:$0x0]  }
0x2: {  	s9 =	rddreg [dreg:$0x1]  }
0x3: {  	s2 =	rddreg [dreg:$0x2]  }
0x4: {  	s1 =	srdreg.scid;
	s4 =	simm.s32 $0x0;
	s10 =	stileid.u32  }
0x5: {  	s13 =	simm.s32 $0x5;
	s14 =	simm.s32 $0x800;
	s15 =	simm.s32 $0x80  }
0x6: {  	s26 =	simm.s32 $0x100;
	s28 =	simm.s32 $0x400;
	s29 =	simm.s32 $0x480  }
0x7: {  	s30 =	simm.s32 $0xC00;
	s31 =	simm.s32 $0xC80;
	s1 =	sand.u32 $0x1, s1  }
0x8: {  	[smem:$0x7FF] =	sst s4;
	s6 =	smul.u32 $0x14000, s10;
	s5 =	sadd.s32 $0x15600, s0  }
0x9: {  	s11 =	sadd.s32 $0x1600, s0;
	s7 =	smul.u32 $0x50000, s10;
	s8 =	sadd.s32 $0x3D600, s0  }
0xa: {  	s20 =	sshll.u32 s10, $0x6;
	s21 =	smul.u32 $0x1200, s10;
	s22 =	sshll.u32 s10, $0x9  }
0xb: {  	s10 =	simm.s32 $0x500;
	s3 =	smul.u32 $0x140000, s1;
	_ =	strace $0x8000004A  }
0xc: {  	s16 =	ssub.s32 $0x2, s1;
	[dreg:$0x8] =	wrdreg s8;
	s12 =	sor.u32 $0x1C05, s20  }
0xd: {  	p0 =	seq.s32 s1, $0x1;
	s1 =	sor.u32 $0x12000, s22;
	[dreg:$0x7] =	wrdreg s11  }
0xe: {  	s22 =	simm.s32 $0x4;
	[dreg:$0x6] =	wrdreg s26;
	s8 =	simm.s32 $0xD00  }
0xf: {  	s20 =	simm.s32 $0xE80;
	s26 =	simm.s32 $0xF80;
	s17 =	sshrl.u32 s16, $0x1  }
0x10: {  	s19 =	sshrl.u32 s7, $0x2;
	[dreg:$0xa] =	wrdreg s1;
	s23 =	sadd.s32 s21, s9  }
0x11: {  	s25 =	sadd.s32 s21, s11;
	s21 =	simm.s32 $0x3;
	s1 =	simm.s32 $0x0  }
0x12: {  	s11 =	simm.s32 $0x580;
	s9 =	simm.s32 $0xE00;
	s3 =	sadd.s32 s6, s3  }
0x13: {  	s18 =	ssub.s32 s16, s17;
	s6 =	sadd.s32 s19, s2;
	[dreg:$0x4] =	wrdreg s23  }
0x14: {  	[dreg:$0x5] =	wrdreg s25;
	s16 =	simm.s32 $0x15000;
	s17 =	simm.s32 $0x19000  }
0x15: {  	s19 =	simm.s32 $0x2;
	s23 =	simm.s32 $0x700;
	s25 =	simm.s32 $0xF00  }
.Ltmp0:
0x16: {  	s3 =	sshrl.u32 s3, $0x3;
	s24 =	smax.u32 s18, $0x1;
	(pc) =	sbr.rel .LBB2_1-.Ltmp0, $4  }
0x17: {  	s7 =	sshrl.u32 s6, $0x3;
	s18 =	simm.s32 $0x1;
	[dreg:$0xc] =	wrdreg s24  }
0x18: {  	s0 =	sadd.s32 s3, s0;
	s3 =	smov.u32 s12;
	[dreg:$0xd] =	wrdreg s7  }
0x19: {  	s6 =	simm.s32 $0x680;
	s0 =	sadd.s32 $0x3FE00, s0;
	[dreg:$0x9] =	wrdreg s3  }
0x1a: {  	s12 =	simm.s32 $0xD80;
	s24 =	simm.s32 $0x780;
	[dreg:$0xb] =	wrdreg s0  }
.LBB2_4:
0x1b: {  	[sflag:s22] =	ssyncadd.s32 $0xFFFFC000  }
.LBB2_6:
0x1c: {  	[bflag:$0x0] =	sbarrier.arrive $0xFFFF  }
0x1d: {  	s3 =	rddreg [dreg:$0x9]  }
0x1e: {  	s0 =	rddreg [dreg:$0xb]  }
0x1f: {  	s7 =	rddreg [dreg:$0xd]  }
0x20: {  	[hbm:s0], [sflag:s3] =	dma.local [spmem:s7], $0x2800  }
0x21: {  	_ =	swait.ge [sflag:s13], $0x2800  }
0x22: {  	s1 =	rddreg [dreg:$0xe]  }
0x23: {  	s0 =	rddreg [dreg:$0xc];
	s1 =	sadd.s32 $0x1, s1  }
0x24: {  	p1 =	sne.s32 s1, s0  }
.Ltmp1:
0x25: {  	_ = 	snop;
	(pc) =	sbr.rel @!p1 .LBB2_7-.Ltmp1, $3  }
0x26: {  	_ =	sdelay $0x1  }
0x27: {  	[sflag:s13] =	ssyncset.done $0x0  }
0x28: {  	[sflag:s13] =	ssyncadd.s32 $0xFFFFD800  }
.LBB2_1:
0x29: {  	[dreg:$0xe] =	wrdreg s1  }
0x2a: {  	s0 =	rddreg [dreg:$0x8]  }
0x2b: {  	[spmem:s7], [sflag:s3] =	dma.local [hbm:s0], $0x2800  }
.Ltmp2:
0x2c: {  	_ =	swait.ge [sflag:s13], $0x2800;
	(pc) =	sbr.rel @!p0 .LBB2_2-.Ltmp2, $4  }
0x2d: {  	[sflag:s13] =	ssyncset.done $0x0  }
0x2e: {  	[sflag:s13] =	ssyncadd.s32 $0xFFFFD800  }
0x2f: {  	p1 =	por $0x1, $0x1;
	[bflag:$0x0] =	sbarrier.arrive $0xFFFF  }
0x30: {  	s1 =	simm.s32 $0x600;
	s0 =	simm.s32 $0x0;
	s7 =	rddreg [dreg:$0x1]  }
.LBB2_5:
0x31: {  	s3 =	rddreg [dreg:$0xa]  }
0x32: {  	s0 =	sor.u32 s3, s0;
	s3 =	rddreg [dreg:$0x7]  }
0x33: {  	s3 =	sadd.s32 s3, s0  }
0x34: {  	[tilespmem:s4], [sflag:$0x5] =	stream.linear.gather [hbm4b:s3+s4], $0x800, $0x38;
	[tilespmem:$0x1D000] =	vst v63  }
0x35: {  	_ =	swait.ge [sflag:s13], $0x800  }
0x36: {  	[sflag:s13] =	ssyncset.done $0x0  }
0x37: {  	s0 =	sadd.s32 s7, s0;
	[sflag:s13] =	ssyncadd.s32 $0xFFFFF800  }
0x38: {  	[tilespmem:s14], [sflag:$0x5] =	stream.linear.gather [hbm4b:s0+s4], $0x800, $0x38;
	[tilespmem:$0x1D000] =	vst v63  }
0x39: {  	_ =	swait.ge [sflag:s13], $0x800  }
0x3a: {  	[sflag:s13] =	ssyncset.done $0x0  }
0x3b: {  	[sflag:s13] =	ssyncadd.s32 $0xFFFFF800  }
0x3c: {  	[tilespmem:s16], [sflag:$0x1] =	stream.indirect.gather [hbm4b:s5+s15], $0x80, s4, s15, $0xb8;
	[tilespmem:$0x1D000] =	vst v63  }
0x3d: {  	_ = 	snop  }
0x3e: {  	[tilespmem:s17], [sflag:$0x2] =	stream.indirect.gather [hbm4b:s5+s15], $0x80, s15, s15, $0xb8;
	[tilespmem:$0x1D000] =	vst v63  }
0x3f: {  	_ =	swait.ge [sflag:s18], $0x4000  }
0x40: {  	[sflag:s18] =	ssyncset.done $0x0  }
0x41: {  	[sflag:s18] =	ssyncadd.s32 $0xFFFFC000  }
0x42: {  	[spmem:s2] =	stream.indirect.scatter.add.f32 [tilespmem:s16], [sflag:$0x3], $0x80, s14, s15, $0xb8;
	[tilespmem:$0x1D000] =	vst v63  }
0x43: {  	_ =	swait.ge [sflag:s19], $0x4000  }
0x44: {  	[sflag:s19] =	ssyncset.done $0x0  }
0x45: {  	s3 =	simm.s32 $0x880;
	[sflag:s19] =	ssyncadd.s32 $0xFFFFC000  }
0x46: {  	[spmem:s2] =	stream.indirect.scatter.add.f32 [tilespmem:s17], [sflag:$0x4], $0x80, s3, s15, $0xb8;
	[tilespmem:$0x1D000] =	vst v63  }
0x47: {  	_ =	swait.ge [sflag:s21], $0x4000  }
0x48: {  	[sflag:s21] =	ssyncset.done $0x0  }
0x49: {  	s0 =	simm.s32 $0x100;
	[sflag:s21] =	ssyncadd.s32 $0xFFFFC000  }
0x4a: {  	[tilespmem:s16], [sflag:$0x1] =	stream.indirect.gather [hbm4b:s5+s15], $0x80, s0, s15, $0xb8;
	[tilespmem:$0x1D000] =	vst v63  }
0x4b: {  	_ =	swait.ge [sflag:s22], $0x4000  }
0x4c: {  	[sflag:s22] =	ssyncset.done $0x0  }
0x4d: {  	s3 =	simm.s32 $0x180;
	[sflag:s22] =	ssyncadd.s32 $0xFFFFC000  }
0x4e: {  	[tilespmem:s17], [sflag:$0x2] =	stream.indirect.gather [hbm4b:s5+s15], $0x80, s3, s15, $0xb8;
	[tilespmem:$0x1D000] =	vst v63  }
0x4f: {  	_ =	swait.ge [sflag:s18], $0x4000  }
0x50: {  	[sflag:s18] =	ssyncset.done $0x0  }
0x51: {  	s3 =	simm.s32 $0x900;
	[sflag:s18] =	ssyncadd.s32 $0xFFFFC000  }
0x52: {  	[spmem:s2] =	stream.indirect.scatter.add.f32 [tilespmem:s16], [sflag:$0x3], $0x80, s3, s15, $0xb8;
	[tilespmem:$0x1D000] =	vst v63  }
0x53: {  	_ =	swait.ge [sflag:s19], $0x4000  }
0x54: {  	[sflag:s19] =	ssyncset.done $0x0  }
0x55: {  	s3 =	simm.s32 $0x980;
	[sflag:s19] =	ssyncadd.s32 $0xFFFFC000  }
0x56: {  	[spmem:s2] =	stream.indirect.scatter.add.f32 [tilespmem:s17], [sflag:$0x4], $0x80, s3, s15, $0xb8;
	[tilespmem:$0x1D000] =	vst v63  }
0x57: {  	_ =	swait.ge [sflag:s21], $0x4000  }
0x58: {  	[sflag:s21] =	ssyncset.done $0x0  }
0x59: {  	s3 =	simm.s32 $0x200;
	[sflag:s21] =	ssyncadd.s32 $0xFFFFC000  }
0x5a: {  	[tilespmem:s16], [sflag:$0x1] =	stream.indirect.gather [hbm4b:s5+s15], $0x80, s3, s15, $0xb8;
	[tilespmem:$0x1D000] =	vst v63  }
0x5b: {  	_ =	swait.ge [sflag:s22], $0x4000  }
0x5c: {  	[sflag:s22] =	ssyncset.done $0x0  }
0x5d: {  	s3 =	simm.s32 $0x280;
	[sflag:s22] =	ssyncadd.s32 $0xFFFFC000  }
0x5e: {  	[tilespmem:s17], [sflag:$0x2] =	stream.indirect.gather [hbm4b:s5+s15], $0x80, s3, s15, $0xb8;
	[tilespmem:$0x1D000] =	vst v63  }
0x5f: {  	_ =	swait.ge [sflag:s18], $0x4000  }
0x60: {  	[sflag:s18] =	ssyncset.done $0x0  }
0x61: {  	s3 =	simm.s32 $0xA00;
	[sflag:s18] =	ssyncadd.s32 $0xFFFFC000  }
0x62: {  	[spmem:s2] =	stream.indirect.scatter.add.f32 [tilespmem:s16], [sflag:$0x3], $0x80, s3, s15, $0xb8;
	[tilespmem:$0x1D000] =	vst v63  }
0x63: {  	_ =	swait.ge [sflag:s19], $0x4000  }
0x64: {  	[sflag:s19] =	ssyncset.done $0x0  }
0x65: {  	s3 =	simm.s32 $0xA80;
	[sflag:s19] =	ssyncadd.s32 $0xFFFFC000  }
0x66: {  	[spmem:s2] =	stream.indirect.scatter.add.f32 [tilespmem:s17], [sflag:$0x4], $0x80, s3, s15, $0xb8;
	[tilespmem:$0x1D000] =	vst v63  }
0x67: {  	_ =	swait.ge [sflag:s21], $0x4000  }
0x68: {  	[sflag:s21] =	ssyncset.done $0x0  }
0x69: {  	s3 =	simm.s32 $0x300;
	[sflag:s21] =	ssyncadd.s32 $0xFFFFC000  }
0x6a: {  	[tilespmem:s16], [sflag:$0x1] =	stream.indirect.gather [hbm4b:s5+s15], $0x80, s3, s15, $0xb8;
	[tilespmem:$0x1D000] =	vst v63  }
0x6b: {  	_ =	swait.ge [sflag:s22], $0x4000  }
0x6c: {  	[sflag:s22] =	ssyncset.done $0x0  }
0x6d: {  	s3 =	simm.s32 $0x380;
	[sflag:s22] =	ssyncadd.s32 $0xFFFFC000  }
0x6e: {  	[tilespmem:s17], [sflag:$0x2] =	stream.indirect.gather [hbm4b:s5+s15], $0x80, s3, s15, $0xb8;
	[tilespmem:$0x1D000] =	vst v63  }
0x6f: {  	_ =	swait.ge [sflag:s18], $0x4000  }
0x70: {  	[sflag:s18] =	ssyncset.done $0x0  }
0x71: {  	s3 =	simm.s32 $0xB00;
	[sflag:s18] =	ssyncadd.s32 $0xFFFFC000  }
0x72: {  	[spmem:s2] =	stream.indirect.scatter.add.f32 [tilespmem:s16], [sflag:$0x3], $0x80, s3, s15, $0xb8;
	[tilespmem:$0x1D000] =	vst v63  }
0x73: {  	_ =	swait.ge [sflag:s19], $0x4000  }
0x74: {  	[sflag:s19] =	ssyncset.done $0x0  }
0x75: {  	s3 =	simm.s32 $0xB80;
	[sflag:s19] =	ssyncadd.s32 $0xFFFFC000  }
0x76: {  	[spmem:s2] =	stream.indirect.scatter.add.f32 [tilespmem:s17], [sflag:$0x4], $0x80, s3, s15, $0xb8;
	[tilespmem:$0x1D000] =	vst v63  }
0x77: {  	_ =	swait.ge [sflag:s21], $0x4000  }
0x78: {  	[sflag:s21] =	ssyncset.done $0x0  }
0x79: {  	[sflag:s21] =	ssyncadd.s32 $0xFFFFC000  }
0x7a: {  	[tilespmem:s16], [sflag:$0x1] =	stream.indirect.gather [hbm4b:s5+s15], $0x80, s28, s15, $0xb8;
	[tilespmem:$0x1D000] =	vst v63  }
0x7b: {  	_ =	swait.ge [sflag:s22], $0x4000  }
0x7c: {  	[sflag:s22] =	ssyncset.done $0x0  }
0x7d: {  	[sflag:s22] =	ssyncadd.s32 $0xFFFFC000  }
0x7e: {  	[tilespmem:s17], [sflag:$0x2] =	stream.indirect.gather [hbm4b:s5+s15], $0x80, s29, s15, $0xb8;
	[tilespmem:$0x1D000] =	vst v63  }
0x7f: {  	_ =	swait.ge [sflag:s18], $0x4000  }
0x80: {  	[sflag:s18] =	ssyncset.done $0x0  }
0x81: {  	[sflag:s18] =	ssyncadd.s32 $0xFFFFC000  }
0x82: {  	[spmem:s2] =	stream.indirect.scatter.add.f32 [tilespmem:s16], [sflag:$0x3], $0x80, s30, s15, $0xb8;
	[tilespmem:$0x1D000] =	vst v63  }
0x83: {  	_ =	swait.ge [sflag:s19], $0x4000  }
0x84: {  	[sflag:s19] =	ssyncset.done $0x0  }
0x85: {  	[sflag:s19] =	ssyncadd.s32 $0xFFFFC000  }
0x86: {  	[spmem:s2] =	stream.indirect.scatter.add.f32 [tilespmem:s17], [sflag:$0x4], $0x80, s31, s15, $0xb8;
	[tilespmem:$0x1D000] =	vst v63  }
0x87: {  	_ =	swait.ge [sflag:s21], $0x4000  }
0x88: {  	[sflag:s21] =	ssyncset.done $0x0  }
0x89: {  	[sflag:s21] =	ssyncadd.s32 $0xFFFFC000  }
0x8a: {  	[tilespmem:s16], [sflag:$0x1] =	stream.indirect.gather [hbm4b:s5+s15], $0x80, s10, s15, $0xb8;
	[tilespmem:$0x1D000] =	vst v63  }
0x8b: {  	_ =	swait.ge [sflag:s22], $0x4000  }
0x8c: {  	[sflag:s22] =	ssyncset.done $0x0  }
0x8d: {  	[sflag:s22] =	ssyncadd.s32 $0xFFFFC000  }
0x8e: {  	[tilespmem:s17], [sflag:$0x2] =	stream.indirect.gather [hbm4b:s5+s15], $0x80, s11, s15, $0xb8;
	[tilespmem:$0x1D000] =	vst v63  }
0x8f: {  	_ =	swait.ge [sflag:s18], $0x4000  }
0x90: {  	[sflag:s18] =	ssyncset.done $0x0  }
0x91: {  	[sflag:s18] =	ssyncadd.s32 $0xFFFFC000  }
0x92: {  	[spmem:s2] =	stream.indirect.scatter.add.f32 [tilespmem:s16], [sflag:$0x3], $0x80, s8, s15, $0xb8;
	[tilespmem:$0x1D000] =	vst v63  }
0x93: {  	_ =	swait.ge [sflag:s19], $0x4000  }
0x94: {  	[sflag:s19] =	ssyncset.done $0x0  }
0x95: {  	[sflag:s19] =	ssyncadd.s32 $0xFFFFC000  }
0x96: {  	[spmem:s2] =	stream.indirect.scatter.add.f32 [tilespmem:s17], [sflag:$0x4], $0x80, s12, s15, $0xb8;
	[tilespmem:$0x1D000] =	vst v63  }
0x97: {  	_ =	swait.ge [sflag:s21], $0x4000  }
0x98: {  	[sflag:s21] =	ssyncset.done $0x0  }
0x99: {  	[sflag:s21] =	ssyncadd.s32 $0xFFFFC000  }
0x9a: {  	[tilespmem:s16], [sflag:$0x1] =	stream.indirect.gather [hbm4b:s5+s15], $0x80, s1, s15, $0xb8;
	[tilespmem:$0x1D000] =	vst v63  }
0x9b: {  	_ =	swait.ge [sflag:s22], $0x4000  }
0x9c: {  	[sflag:s22] =	ssyncset.done $0x0  }
0x9d: {  	[sflag:s22] =	ssyncadd.s32 $0xFFFFC000  }
0x9e: {  	[tilespmem:s17], [sflag:$0x2] =	stream.indirect.gather [hbm4b:s5+s15], $0x80, s6, s15, $0xb8;
	[tilespmem:$0x1D000] =	vst v63  }
0x9f: {  	_ =	swait.ge [sflag:s18], $0x4000  }
0xa0: {  	[sflag:s18] =	ssyncset.done $0x0  }
0xa1: {  	[sflag:s18] =	ssyncadd.s32 $0xFFFFC000  }
0xa2: {  	[spmem:s2] =	stream.indirect.scatter.add.f32 [tilespmem:s16], [sflag:$0x3], $0x80, s9, s15, $0xb8;
	[tilespmem:$0x1D000] =	vst v63  }
0xa3: {  	_ =	swait.ge [sflag:s19], $0x4000  }
0xa4: {  	[sflag:s19] =	ssyncset.done $0x0  }
0xa5: {  	[sflag:s19] =	ssyncadd.s32 $0xFFFFC000  }
0xa6: {  	[spmem:s2] =	stream.indirect.scatter.add.f32 [tilespmem:s17], [sflag:$0x4], $0x80, s20, s15, $0xb8;
	[tilespmem:$0x1D000] =	vst v63  }
0xa7: {  	_ =	swait.ge [sflag:s21], $0x4000  }
0xa8: {  	[sflag:s21] =	ssyncset.done $0x0  }
0xa9: {  	[sflag:s21] =	ssyncadd.s32 $0xFFFFC000  }
0xaa: {  	[tilespmem:s16], [sflag:$0x1] =	stream.indirect.gather [hbm4b:s5+s15], $0x80, s23, s15, $0xb8;
	[tilespmem:$0x1D000] =	vst v63  }
0xab: {  	_ =	swait.ge [sflag:s22], $0x4000  }
0xac: {  	[sflag:s22] =	ssyncset.done $0x0  }
0xad: {  	[sflag:s22] =	ssyncadd.s32 $0xFFFFC000  }
0xae: {  	[tilespmem:s17], [sflag:$0x2] =	stream.indirect.gather [hbm4b:s5+s15], $0x80, s24, s15, $0xb8;
	[tilespmem:$0x1D000] =	vst v63  }
0xaf: {  	_ =	swait.ge [sflag:s18], $0x4000  }
0xb0: {  	[sflag:s18] =	ssyncset.done $0x0  }
0xb1: {  	[sflag:s18] =	ssyncadd.s32 $0xFFFFC000  }
0xb2: {  	[spmem:s2] =	stream.indirect.scatter.add.f32 [tilespmem:s16], [sflag:$0x3], $0x80, s25, s15, $0xb8;
	[tilespmem:$0x1D000] =	vst v63  }
0xb3: {  	_ =	swait.ge [sflag:s19], $0x4000  }
0xb4: {  	[sflag:s19] =	ssyncset.done $0x0  }
0xb5: {  	[sflag:s19] =	ssyncadd.s32 $0xFFFFC000  }
0xb6: {  	[spmem:s2] =	stream.indirect.scatter.add.f32 [tilespmem:s17], [sflag:$0x4], $0x80, s26, s15, $0xb8;
	[tilespmem:$0x1D000] =	vst v63  }
0xb7: {  	p2 =	por p1, p1;
	_ =	swait.ge [sflag:s21], $0x4000  }
.Ltmp3:
0xb8: {  	[sflag:s21] =	ssyncset.done $0x0;
	(pc) =	sbr.rel @p2 .LBB2_5-.Ltmp3, $4  }
0xb9: {  	[sflag:s21] =	ssyncadd.s32 $0xFFFFC000  }
0xba: {  	_ =	swait.ge [sflag:s22], $0x4000  }
0xbb: {  	[sflag:s22] =	ssyncset.done $0x0  }
0xbc: {  	p1 =	por $0x0, $0x0;
	[sflag:s22] =	ssyncadd.s32 $0xFFFFC000  }
.Ltmp4:
0xbd: {  	_ = 	snop;
	(pc) =	sbr.rel .LBB2_6-.Ltmp4, $1  }
0xbe: {  	_ =	sdelay $0x3  }
.LBB2_2:
0xbf: {  	s0 =	rddreg [dreg:$0x5]  }
0xc0: {  	s0 =	sadd.s32 $0x0, s0  }
0xc1: {  	[tilespmem:s4], [sflag:$0x5] =	stream.linear.gather [hbm4b:s0+s4], $0x800, $0x38;
	[tilespmem:$0x1D000] =	vst v63  }
0xc2: {  	_ =	swait.ge [sflag:s13], $0x800  }
0xc3: {  	s3 =	rddreg [dreg:$0x4];
	[sflag:s13] =	ssyncset.done $0x0  }
0xc4: {  	[sflag:s13] =	ssyncadd.s32 $0xFFFFF800;
	s0 =	sadd.s32 $0x0, s3  }
0xc5: {  	[tilespmem:s14], [sflag:$0x5] =	stream.linear.gather [hbm4b:s0+s4], $0x800, $0x38;
	[tilespmem:$0x1D000] =	vst v63  }
0xc6: {  	_ =	swait.ge [sflag:s13], $0x800  }
0xc7: {  	[sflag:s13] =	ssyncset.done $0x0  }
0xc8: {  	[sflag:s13] =	ssyncadd.s32 $0xFFFFF800  }
0xc9: {  	[tilespmem:s16], [sflag:$0x1] =	stream.indirect.gather [hbm4b:s5+s15], $0x80, s4, s15, $0xb8;
	[tilespmem:$0x1D000] =	vst v63  }
0xca: {  	_ = 	snop  }
0xcb: {  	[tilespmem:s17], [sflag:$0x2] =	stream.indirect.gather [hbm4b:s5+s15], $0x80, s15, s15, $0xb8;
	[tilespmem:$0x1D000] =	vst v63  }
0xcc: {  	_ =	swait.ge [sflag:s18], $0x4000  }
0xcd: {  	[sflag:s18] =	ssyncset.done $0x0  }
0xce: {  	[sflag:s18] =	ssyncadd.s32 $0xFFFFC000  }
0xcf: {  	[spmem:s2] =	stream.indirect.scatter.add.f32 [tilespmem:s16], [sflag:$0x3], $0x80, s14, s15, $0xb8;
	[tilespmem:$0x1D000] =	vst v63  }
0xd0: {  	_ =	swait.ge [sflag:s19], $0x4000  }
0xd1: {  	[sflag:s19] =	ssyncset.done $0x0  }
0xd2: {  	s7 =	simm.s32 $0x880;
	[sflag:s19] =	ssyncadd.s32 $0xFFFFC000  }
0xd3: {  	[spmem:s2] =	stream.indirect.scatter.add.f32 [tilespmem:s17], [sflag:$0x4], $0x80, s7, s15, $0xb8;
	[tilespmem:$0x1D000] =	vst v63  }
0xd4: {  	_ =	swait.ge [sflag:s21], $0x4000  }
0xd5: {  	[sflag:s21] =	ssyncset.done $0x0  }
0xd6: {  	s3 =	rddreg [dreg:$0x6];
	[sflag:s21] =	ssyncadd.s32 $0xFFFFC000  }
0xd7: {  	[tilespmem:s16], [sflag:$0x1] =	stream.indirect.gather [hbm4b:s5+s15], $0x80, s3, s15, $0xb8;
	[tilespmem:$0x1D000] =	vst v63  }
0xd8: {  	_ =	swait.ge [sflag:s22], $0x4000  }
0xd9: {  	[sflag:s22] =	ssyncset.done $0x0  }
0xda: {  	s7 =	simm.s32 $0x180;
	[sflag:s22] =	ssyncadd.s32 $0xFFFFC000  }
0xdb: {  	[tilespmem:s17], [sflag:$0x2] =	stream.indirect.gather [hbm4b:s5+s15], $0x80, s7, s15, $0xb8;
	[tilespmem:$0x1D000] =	vst v63  }
0xdc: {  	_ =	swait.ge [sflag:s18], $0x4000  }
0xdd: {  	[sflag:s18] =	ssyncset.done $0x0  }
0xde: {  	s3 =	simm.s32 $0x900;
	[sflag:s18] =	ssyncadd.s32 $0xFFFFC000  }
0xdf: {  	[spmem:s2] =	stream.indirect.scatter.add.f32 [tilespmem:s16], [sflag:$0x3], $0x80, s3, s15, $0xb8;
	[tilespmem:$0x1D000] =	vst v63  }
0xe0: {  	_ =	swait.ge [sflag:s19], $0x4000  }
0xe1: {  	[sflag:s19] =	ssyncset.done $0x0  }
0xe2: {  	s7 =	simm.s32 $0x980;
	[sflag:s19] =	ssyncadd.s32 $0xFFFFC000  }
0xe3: {  	[spmem:s2] =	stream.indirect.scatter.add.f32 [tilespmem:s17], [sflag:$0x4], $0x80, s7, s15, $0xb8;
	[tilespmem:$0x1D000] =	vst v63  }
0xe4: {  	_ =	swait.ge [sflag:s21], $0x4000  }
0xe5: {  	[sflag:s21] =	ssyncset.done $0x0  }
0xe6: {  	s3 =	simm.s32 $0x200;
	[sflag:s21] =	ssyncadd.s32 $0xFFFFC000  }
0xe7: {  	[tilespmem:s16], [sflag:$0x1] =	stream.indirect.gather [hbm4b:s5+s15], $0x80, s3, s15, $0xb8;
	[tilespmem:$0x1D000] =	vst v63  }
0xe8: {  	_ =	swait.ge [sflag:s22], $0x4000  }
0xe9: {  	[sflag:s22] =	ssyncset.done $0x0  }
0xea: {  	s7 =	simm.s32 $0x280;
	[sflag:s22] =	ssyncadd.s32 $0xFFFFC000  }
0xeb: {  	[tilespmem:s17], [sflag:$0x2] =	stream.indirect.gather [hbm4b:s5+s15], $0x80, s7, s15, $0xb8;
	[tilespmem:$0x1D000] =	vst v63  }
0xec: {  	_ =	swait.ge [sflag:s18], $0x4000  }
0xed: {  	[sflag:s18] =	ssyncset.done $0x0  }
0xee: {  	s3 =	simm.s32 $0xA00;
	[sflag:s18] =	ssyncadd.s32 $0xFFFFC000  }
0xef: {  	[spmem:s2] =	stream.indirect.scatter.add.f32 [tilespmem:s16], [sflag:$0x3], $0x80, s3, s15, $0xb8;
	[tilespmem:$0x1D000] =	vst v63  }
0xf0: {  	_ =	swait.ge [sflag:s19], $0x4000  }
0xf1: {  	[sflag:s19] =	ssyncset.done $0x0  }
0xf2: {  	s7 =	simm.s32 $0xA80;
	[sflag:s19] =	ssyncadd.s32 $0xFFFFC000  }
0xf3: {  	[spmem:s2] =	stream.indirect.scatter.add.f32 [tilespmem:s17], [sflag:$0x4], $0x80, s7, s15, $0xb8;
	[tilespmem:$0x1D000] =	vst v63  }
0xf4: {  	_ =	swait.ge [sflag:s21], $0x4000  }
0xf5: {  	[sflag:s21] =	ssyncset.done $0x0  }
0xf6: {  	s3 =	simm.s32 $0x300;
	[sflag:s21] =	ssyncadd.s32 $0xFFFFC000  }
0xf7: {  	[tilespmem:s16], [sflag:$0x1] =	stream.indirect.gather [hbm4b:s5+s15], $0x80, s3, s15, $0xb8;
	[tilespmem:$0x1D000] =	vst v63  }
0xf8: {  	_ =	swait.ge [sflag:s22], $0x4000  }
0xf9: {  	[sflag:s22] =	ssyncset.done $0x0  }
0xfa: {  	s7 =	simm.s32 $0x380;
	[sflag:s22] =	ssyncadd.s32 $0xFFFFC000  }
0xfb: {  	[tilespmem:s17], [sflag:$0x2] =	stream.indirect.gather [hbm4b:s5+s15], $0x80, s7, s15, $0xb8;
	[tilespmem:$0x1D000] =	vst v63  }
0xfc: {  	_ =	swait.ge [sflag:s18], $0x4000  }
0xfd: {  	[sflag:s18] =	ssyncset.done $0x0  }
0xfe: {  	s3 =	simm.s32 $0xB00;
	[sflag:s18] =	ssyncadd.s32 $0xFFFFC000  }
0xff: {  	[spmem:s2] =	stream.indirect.scatter.add.f32 [tilespmem:s16], [sflag:$0x3], $0x80, s3, s15, $0xb8;
	[tilespmem:$0x1D000] =	vst v63  }
0x100: {  	_ =	swait.ge [sflag:s19], $0x4000  }
0x101: {  	[sflag:s19] =	ssyncset.done $0x0  }
0x102: {  	s7 =	simm.s32 $0xB80;
	[sflag:s19] =	ssyncadd.s32 $0xFFFFC000  }
0x103: {  	[spmem:s2] =	stream.indirect.scatter.add.f32 [tilespmem:s17], [sflag:$0x4], $0x80, s7, s15, $0xb8;
	[tilespmem:$0x1D000] =	vst v63  }
0x104: {  	_ =	swait.ge [sflag:s21], $0x4000  }
0x105: {  	[sflag:s21] =	ssyncset.done $0x0  }
0x106: {  	[sflag:s21] =	ssyncadd.s32 $0xFFFFC000  }
0x107: {  	[tilespmem:s16], [sflag:$0x1] =	stream.indirect.gather [hbm4b:s5+s15], $0x80, s28, s15, $0xb8;
	[tilespmem:$0x1D000] =	vst v63  }
0x108: {  	_ =	swait.ge [sflag:s22], $0x4000  }
0x109: {  	[sflag:s22] =	ssyncset.done $0x0  }
0x10a: {  	[sflag:s22] =	ssyncadd.s32 $0xFFFFC000  }
0x10b: {  	[tilespmem:s17], [sflag:$0x2] =	stream.indirect.gather [hbm4b:s5+s15], $0x80, s29, s15, $0xb8;
	[tilespmem:$0x1D000] =	vst v63  }
0x10c: {  	_ =	swait.ge [sflag:s18], $0x4000  }
0x10d: {  	[sflag:s18] =	ssyncset.done $0x0  }
0x10e: {  	[sflag:s18] =	ssyncadd.s32 $0xFFFFC000  }
0x10f: {  	[spmem:s2] =	stream.indirect.scatter.add.f32 [tilespmem:s16], [sflag:$0x3], $0x80, s30, s15, $0xb8;
	[tilespmem:$0x1D000] =	vst v63  }
0x110: {  	_ =	swait.ge [sflag:s19], $0x4000  }
0x111: {  	[sflag:s19] =	ssyncset.done $0x0  }
0x112: {  	[sflag:s19] =	ssyncadd.s32 $0xFFFFC000  }
0x113: {  	[spmem:s2] =	stream.indirect.scatter.add.f32 [tilespmem:s17], [sflag:$0x4], $0x80, s31, s15, $0xb8;
	[tilespmem:$0x1D000] =	vst v63  }
0x114: {  	_ =	swait.ge [sflag:s21], $0x4000  }
0x115: {  	[sflag:s21] =	ssyncset.done $0x0  }
0x116: {  	[sflag:s21] =	ssyncadd.s32 $0xFFFFC000  }
0x117: {  	[tilespmem:s16], [sflag:$0x1] =	stream.indirect.gather [hbm4b:s5+s15], $0x80, s10, s15, $0xb8;
	[tilespmem:$0x1D000] =	vst v63  }
0x118: {  	_ =	swait.ge [sflag:s22], $0x4000  }
0x119: {  	[sflag:s22] =	ssyncset.done $0x0  }
0x11a: {  	[sflag:s22] =	ssyncadd.s32 $0xFFFFC000  }
0x11b: {  	[tilespmem:s17], [sflag:$0x2] =	stream.indirect.gather [hbm4b:s5+s15], $0x80, s11, s15, $0xb8;
	[tilespmem:$0x1D000] =	vst v63  }
0x11c: {  	_ =	swait.ge [sflag:s18], $0x4000  }
0x11d: {  	[sflag:s18] =	ssyncset.done $0x0  }
0x11e: {  	[sflag:s18] =	ssyncadd.s32 $0xFFFFC000  }
0x11f: {  	[spmem:s2] =	stream.indirect.scatter.add.f32 [tilespmem:s16], [sflag:$0x3], $0x80, s8, s15, $0xb8;
	[tilespmem:$0x1D000] =	vst v63  }
0x120: {  	_ =	swait.ge [sflag:s19], $0x4000  }
0x121: {  	[sflag:s19] =	ssyncset.done $0x0  }
0x122: {  	[sflag:s19] =	ssyncadd.s32 $0xFFFFC000  }
0x123: {  	[spmem:s2] =	stream.indirect.scatter.add.f32 [tilespmem:s17], [sflag:$0x4], $0x80, s12, s15, $0xb8;
	[tilespmem:$0x1D000] =	vst v63  }
0x124: {  	_ =	swait.ge [sflag:s21], $0x4000  }
0x125: {  	[sflag:s21] =	ssyncset.done $0x0  }
0x126: {  	[sflag:s21] =	ssyncadd.s32 $0xFFFFC000  }
0x127: {  	[tilespmem:s16], [sflag:$0x1] =	stream.indirect.gather [hbm4b:s5+s15], $0x80, s1, s15, $0xb8;
	[tilespmem:$0x1D000] =	vst v63  }
0x128: {  	_ =	swait.ge [sflag:s22], $0x4000  }
0x129: {  	[sflag:s22] =	ssyncset.done $0x0  }
0x12a: {  	[sflag:s22] =	ssyncadd.s32 $0xFFFFC000  }
0x12b: {  	[tilespmem:s17], [sflag:$0x2] =	stream.indirect.gather [hbm4b:s5+s15], $0x80, s6, s15, $0xb8;
	[tilespmem:$0x1D000] =	vst v63  }
0x12c: {  	_ =	swait.ge [sflag:s18], $0x4000  }
0x12d: {  	[sflag:s18] =	ssyncset.done $0x0  }
0x12e: {  	[sflag:s18] =	ssyncadd.s32 $0xFFFFC000  }
0x12f: {  	[spmem:s2] =	stream.indirect.scatter.add.f32 [tilespmem:s16], [sflag:$0x3], $0x80, s9, s15, $0xb8;
	[tilespmem:$0x1D000] =	vst v63  }
0x130: {  	_ =	swait.ge [sflag:s19], $0x4000  }
0x131: {  	[sflag:s19] =	ssyncset.done $0x0  }
0x132: {  	[sflag:s19] =	ssyncadd.s32 $0xFFFFC000  }
0x133: {  	[spmem:s2] =	stream.indirect.scatter.add.f32 [tilespmem:s17], [sflag:$0x4], $0x80, s20, s15, $0xb8;
	[tilespmem:$0x1D000] =	vst v63  }
0x134: {  	_ =	swait.ge [sflag:s21], $0x4000  }
0x135: {  	[sflag:s21] =	ssyncset.done $0x0  }
0x136: {  	[sflag:s21] =	ssyncadd.s32 $0xFFFFC000  }
0x137: {  	[tilespmem:s16], [sflag:$0x1] =	stream.indirect.gather [hbm4b:s5+s15], $0x80, s23, s15, $0xb8;
	[tilespmem:$0x1D000] =	vst v63  }
0x138: {  	_ =	swait.ge [sflag:s22], $0x4000  }
0x139: {  	[sflag:s22] =	ssyncset.done $0x0  }
0x13a: {  	[sflag:s22] =	ssyncadd.s32 $0xFFFFC000  }
0x13b: {  	[tilespmem:s17], [sflag:$0x2] =	stream.indirect.gather [hbm4b:s5+s15], $0x80, s24, s15, $0xb8;
	[tilespmem:$0x1D000] =	vst v63  }
0x13c: {  	_ =	swait.ge [sflag:s18], $0x4000  }
0x13d: {  	[sflag:s18] =	ssyncset.done $0x0  }
0x13e: {  	[sflag:s18] =	ssyncadd.s32 $0xFFFFC000  }
0x13f: {  	[spmem:s2] =	stream.indirect.scatter.add.f32 [tilespmem:s16], [sflag:$0x3], $0x80, s25, s15, $0xb8;
	[tilespmem:$0x1D000] =	vst v63  }
0x140: {  	_ =	swait.ge [sflag:s19], $0x4000  }
0x141: {  	[sflag:s19] =	ssyncset.done $0x0  }
0x142: {  	[sflag:s19] =	ssyncadd.s32 $0xFFFFC000  }
0x143: {  	[spmem:s2] =	stream.indirect.scatter.add.f32 [tilespmem:s17], [sflag:$0x4], $0x80, s26, s15, $0xb8;
	[tilespmem:$0x1D000] =	vst v63  }
0x144: {  	_ =	swait.ge [sflag:s21], $0x4000  }
0x145: {  	[sflag:s21] =	ssyncset.done $0x0  }
0x146: {  	[sflag:s21] =	ssyncadd.s32 $0xFFFFC000  }
0x147: {  	_ =	swait.ge [sflag:s22], $0x4000  }
0x148: {  	s0 =	simm.s32 $0x100;
	[sflag:s22] =	ssyncset.done $0x0  }
.LBB2_3:
0x149: {  	s3 =	rddreg [dreg:$0x5];
	s7 =	smov.u32 s0  }
0x14a: {  	[sflag:s22] =	ssyncadd.s32 $0xFFFFC000;
	s3 =	sadd.s32 s7, s3  }
0x14b: {  	[tilespmem:s4], [sflag:$0x5] =	stream.linear.gather [hbm4b:s3+s4], $0x800, $0x38;
	[tilespmem:$0x1D000] =	vst v63  }
0x14c: {  	_ =	swait.ge [sflag:s13], $0x800  }
0x14d: {  	s3 =	rddreg [dreg:$0x4];
	[sflag:s13] =	ssyncset.done $0x0  }
0x14e: {  	[sflag:s13] =	ssyncadd.s32 $0xFFFFF800;
	s3 =	sadd.s32 s7, s3  }
0x14f: {  	[tilespmem:s14], [sflag:$0x5] =	stream.linear.gather [hbm4b:s3+s4], $0x800, $0x38;
	[tilespmem:$0x1D000] =	vst v63  }
0x150: {  	_ =	swait.ge [sflag:s13], $0x800  }
0x151: {  	[sflag:s13] =	ssyncset.done $0x0  }
0x152: {  	[sflag:s13] =	ssyncadd.s32 $0xFFFFF800  }
0x153: {  	[tilespmem:s16], [sflag:$0x1] =	stream.indirect.gather [hbm4b:s5+s15], $0x80, s4, s15, $0xb8;
	[tilespmem:$0x1D000] =	vst v63  }
0x154: {  	_ = 	snop  }
0x155: {  	[tilespmem:s17], [sflag:$0x2] =	stream.indirect.gather [hbm4b:s5+s15], $0x80, s15, s15, $0xb8;
	[tilespmem:$0x1D000] =	vst v63  }
0x156: {  	_ =	swait.ge [sflag:s18], $0x4000  }
0x157: {  	[sflag:s18] =	ssyncset.done $0x0  }
0x158: {  	[sflag:s18] =	ssyncadd.s32 $0xFFFFC000  }
0x159: {  	[spmem:s2] =	stream.indirect.scatter.add.f32 [tilespmem:s16], [sflag:$0x3], $0x80, s14, s15, $0xb8;
	[tilespmem:$0x1D000] =	vst v63  }
0x15a: {  	_ =	swait.ge [sflag:s19], $0x4000  }
0x15b: {  	[sflag:s19] =	ssyncset.done $0x0  }
0x15c: {  	s7 =	simm.s32 $0x880;
	[sflag:s19] =	ssyncadd.s32 $0xFFFFC000  }
0x15d: {  	[spmem:s2] =	stream.indirect.scatter.add.f32 [tilespmem:s17], [sflag:$0x4], $0x80, s7, s15, $0xb8;
	[tilespmem:$0x1D000] =	vst v63  }
0x15e: {  	_ =	swait.ge [sflag:s21], $0x4000  }
0x15f: {  	[sflag:s21] =	ssyncset.done $0x0  }
0x160: {  	s7 =	rddreg [dreg:$0x6];
	[sflag:s21] =	ssyncadd.s32 $0xFFFFC000  }
0x161: {  	[tilespmem:s16], [sflag:$0x1] =	stream.indirect.gather [hbm4b:s5+s15], $0x80, s7, s15, $0xb8;
	[tilespmem:$0x1D000] =	vst v63  }
0x162: {  	_ =	swait.ge [sflag:s22], $0x4000  }
0x163: {  	[sflag:s22] =	ssyncset.done $0x0  }
0x164: {  	s7 =	simm.s32 $0x180;
	[sflag:s22] =	ssyncadd.s32 $0xFFFFC000  }
0x165: {  	[tilespmem:s17], [sflag:$0x2] =	stream.indirect.gather [hbm4b:s5+s15], $0x80, s7, s15, $0xb8;
	[tilespmem:$0x1D000] =	vst v63  }
0x166: {  	_ =	swait.ge [sflag:s18], $0x4000  }
0x167: {  	[sflag:s18] =	ssyncset.done $0x0  }
0x168: {  	s7 =	simm.s32 $0x900;
	[sflag:s18] =	ssyncadd.s32 $0xFFFFC000  }
0x169: {  	[spmem:s2] =	stream.indirect.scatter.add.f32 [tilespmem:s16], [sflag:$0x3], $0x80, s7, s15, $0xb8;
	[tilespmem:$0x1D000] =	vst v63  }
0x16a: {  	_ =	swait.ge [sflag:s19], $0x4000  }
0x16b: {  	[sflag:s19] =	ssyncset.done $0x0  }
0x16c: {  	s7 =	simm.s32 $0x980;
	[sflag:s19] =	ssyncadd.s32 $0xFFFFC000  }
0x16d: {  	[spmem:s2] =	stream.indirect.scatter.add.f32 [tilespmem:s17], [sflag:$0x4], $0x80, s7, s15, $0xb8;
	[tilespmem:$0x1D000] =	vst v63  }
0x16e: {  	_ =	swait.ge [sflag:s21], $0x4000  }
0x16f: {  	[sflag:s21] =	ssyncset.done $0x0  }
0x170: {  	s7 =	simm.s32 $0x200;
	[sflag:s21] =	ssyncadd.s32 $0xFFFFC000  }
0x171: {  	[tilespmem:s16], [sflag:$0x1] =	stream.indirect.gather [hbm4b:s5+s15], $0x80, s7, s15, $0xb8;
	[tilespmem:$0x1D000] =	vst v63  }
0x172: {  	_ =	swait.ge [sflag:s22], $0x4000  }
0x173: {  	[sflag:s22] =	ssyncset.done $0x0  }
0x174: {  	s7 =	simm.s32 $0x280;
	[sflag:s22] =	ssyncadd.s32 $0xFFFFC000  }
0x175: {  	[tilespmem:s17], [sflag:$0x2] =	stream.indirect.gather [hbm4b:s5+s15], $0x80, s7, s15, $0xb8;
	[tilespmem:$0x1D000] =	vst v63  }
0x176: {  	_ =	swait.ge [sflag:s18], $0x4000  }
0x177: {  	[sflag:s18] =	ssyncset.done $0x0  }
0x178: {  	s7 =	simm.s32 $0xA00;
	[sflag:s18] =	ssyncadd.s32 $0xFFFFC000  }
0x179: {  	[spmem:s2] =	stream.indirect.scatter.add.f32 [tilespmem:s16], [sflag:$0x3], $0x80, s7, s15, $0xb8;
	[tilespmem:$0x1D000] =	vst v63  }
0x17a: {  	_ =	swait.ge [sflag:s19], $0x4000  }
0x17b: {  	[sflag:s19] =	ssyncset.done $0x0  }
0x17c: {  	s7 =	simm.s32 $0xA80;
	[sflag:s19] =	ssyncadd.s32 $0xFFFFC000  }
0x17d: {  	[spmem:s2] =	stream.indirect.scatter.add.f32 [tilespmem:s17], [sflag:$0x4], $0x80, s7, s15, $0xb8;
	[tilespmem:$0x1D000] =	vst v63  }
0x17e: {  	_ =	swait.ge [sflag:s21], $0x4000  }
0x17f: {  	[sflag:s21] =	ssyncset.done $0x0  }
0x180: {  	s7 =	simm.s32 $0x300;
	[sflag:s21] =	ssyncadd.s32 $0xFFFFC000  }
0x181: {  	[tilespmem:s16], [sflag:$0x1] =	stream.indirect.gather [hbm4b:s5+s15], $0x80, s7, s15, $0xb8;
	[tilespmem:$0x1D000] =	vst v63  }
0x182: {  	_ =	swait.ge [sflag:s22], $0x4000  }
0x183: {  	[sflag:s22] =	ssyncset.done $0x0  }
0x184: {  	s7 =	simm.s32 $0x380;
	[sflag:s22] =	ssyncadd.s32 $0xFFFFC000  }
0x185: {  	[tilespmem:s17], [sflag:$0x2] =	stream.indirect.gather [hbm4b:s5+s15], $0x80, s7, s15, $0xb8;
	[tilespmem:$0x1D000] =	vst v63  }
0x186: {  	_ =	swait.ge [sflag:s18], $0x4000  }
0x187: {  	[sflag:s18] =	ssyncset.done $0x0  }
0x188: {  	s7 =	simm.s32 $0xB00;
	[sflag:s18] =	ssyncadd.s32 $0xFFFFC000  }
0x189: {  	[spmem:s2] =	stream.indirect.scatter.add.f32 [tilespmem:s16], [sflag:$0x3], $0x80, s7, s15, $0xb8;
	[tilespmem:$0x1D000] =	vst v63  }
0x18a: {  	_ =	swait.ge [sflag:s19], $0x4000  }
0x18b: {  	[sflag:s19] =	ssyncset.done $0x0  }
0x18c: {  	s7 =	simm.s32 $0xB80;
	[sflag:s19] =	ssyncadd.s32 $0xFFFFC000  }
0x18d: {  	[spmem:s2] =	stream.indirect.scatter.add.f32 [tilespmem:s17], [sflag:$0x4], $0x80, s7, s15, $0xb8;
	[tilespmem:$0x1D000] =	vst v63  }
0x18e: {  	_ =	swait.ge [sflag:s21], $0x4000  }
0x18f: {  	[sflag:s21] =	ssyncset.done $0x0  }
0x190: {  	[sflag:s21] =	ssyncadd.s32 $0xFFFFC000  }
0x191: {  	[tilespmem:s16], [sflag:$0x1] =	stream.indirect.gather [hbm4b:s5+s15], $0x80, s28, s15, $0xb8;
	[tilespmem:$0x1D000] =	vst v63  }
0x192: {  	_ =	swait.ge [sflag:s22], $0x4000  }
0x193: {  	[sflag:s22] =	ssyncset.done $0x0  }
0x194: {  	[sflag:s22] =	ssyncadd.s32 $0xFFFFC000  }
0x195: {  	[tilespmem:s17], [sflag:$0x2] =	stream.indirect.gather [hbm4b:s5+s15], $0x80, s29, s15, $0xb8;
	[tilespmem:$0x1D000] =	vst v63  }
0x196: {  	_ =	swait.ge [sflag:s18], $0x4000  }
0x197: {  	[sflag:s18] =	ssyncset.done $0x0  }
0x198: {  	[sflag:s18] =	ssyncadd.s32 $0xFFFFC000  }
0x199: {  	[spmem:s2] =	stream.indirect.scatter.add.f32 [tilespmem:s16], [sflag:$0x3], $0x80, s30, s15, $0xb8;
	[tilespmem:$0x1D000] =	vst v63  }
0x19a: {  	_ =	swait.ge [sflag:s19], $0x4000  }
0x19b: {  	[sflag:s19] =	ssyncset.done $0x0  }
0x19c: {  	[sflag:s19] =	ssyncadd.s32 $0xFFFFC000  }
0x19d: {  	[spmem:s2] =	stream.indirect.scatter.add.f32 [tilespmem:s17], [sflag:$0x4], $0x80, s31, s15, $0xb8;
	[tilespmem:$0x1D000] =	vst v63  }
0x19e: {  	_ =	swait.ge [sflag:s21], $0x4000  }
0x19f: {  	[sflag:s21] =	ssyncset.done $0x0  }
0x1a0: {  	[sflag:s21] =	ssyncadd.s32 $0xFFFFC000  }
0x1a1: {  	[tilespmem:s16], [sflag:$0x1] =	stream.indirect.gather [hbm4b:s5+s15], $0x80, s10, s15, $0xb8;
	[tilespmem:$0x1D000] =	vst v63  }
0x1a2: {  	_ =	swait.ge [sflag:s22], $0x4000  }
0x1a3: {  	[sflag:s22] =	ssyncset.done $0x0  }
0x1a4: {  	[sflag:s22] =	ssyncadd.s32 $0xFFFFC000  }
0x1a5: {  	[tilespmem:s17], [sflag:$0x2] =	stream.indirect.gather [hbm4b:s5+s15], $0x80, s11, s15, $0xb8;
	[tilespmem:$0x1D000] =	vst v63  }
0x1a6: {  	_ =	swait.ge [sflag:s18], $0x4000  }
0x1a7: {  	[sflag:s18] =	ssyncset.done $0x0  }
0x1a8: {  	[sflag:s18] =	ssyncadd.s32 $0xFFFFC000  }
0x1a9: {  	[spmem:s2] =	stream.indirect.scatter.add.f32 [tilespmem:s16], [sflag:$0x3], $0x80, s8, s15, $0xb8;
	[tilespmem:$0x1D000] =	vst v63  }
0x1aa: {  	_ =	swait.ge [sflag:s19], $0x4000  }
0x1ab: {  	[sflag:s19] =	ssyncset.done $0x0  }
0x1ac: {  	[sflag:s19] =	ssyncadd.s32 $0xFFFFC000  }
0x1ad: {  	[spmem:s2] =	stream.indirect.scatter.add.f32 [tilespmem:s17], [sflag:$0x4], $0x80, s12, s15, $0xb8;
	[tilespmem:$0x1D000] =	vst v63  }
0x1ae: {  	_ =	swait.ge [sflag:s21], $0x4000  }
0x1af: {  	[sflag:s21] =	ssyncset.done $0x0  }
0x1b0: {  	[sflag:s21] =	ssyncadd.s32 $0xFFFFC000  }
0x1b1: {  	[tilespmem:s16], [sflag:$0x1] =	stream.indirect.gather [hbm4b:s5+s15], $0x80, s1, s15, $0xb8;
	[tilespmem:$0x1D000] =	vst v63  }
0x1b2: {  	_ =	swait.ge [sflag:s22], $0x4000  }
0x1b3: {  	[sflag:s22] =	ssyncset.done $0x0  }
0x1b4: {  	[sflag:s22] =	ssyncadd.s32 $0xFFFFC000  }
0x1b5: {  	[tilespmem:s17], [sflag:$0x2] =	stream.indirect.gather [hbm4b:s5+s15], $0x80, s6, s15, $0xb8;
	[tilespmem:$0x1D000] =	vst v63  }
0x1b6: {  	_ =	swait.ge [sflag:s18], $0x4000  }
0x1b7: {  	[sflag:s18] =	ssyncset.done $0x0  }
0x1b8: {  	[sflag:s18] =	ssyncadd.s32 $0xFFFFC000  }
0x1b9: {  	[spmem:s2] =	stream.indirect.scatter.add.f32 [tilespmem:s16], [sflag:$0x3], $0x80, s9, s15, $0xb8;
	[tilespmem:$0x1D000] =	vst v63  }
0x1ba: {  	_ =	swait.ge [sflag:s19], $0x4000  }
0x1bb: {  	[sflag:s19] =	ssyncset.done $0x0  }
0x1bc: {  	[sflag:s19] =	ssyncadd.s32 $0xFFFFC000  }
0x1bd: {  	[spmem:s2] =	stream.indirect.scatter.add.f32 [tilespmem:s17], [sflag:$0x4], $0x80, s20, s15, $0xb8;
	[tilespmem:$0x1D000] =	vst v63  }
0x1be: {  	_ =	swait.ge [sflag:s21], $0x4000  }
0x1bf: {  	[sflag:s21] =	ssyncset.done $0x0  }
0x1c0: {  	[sflag:s21] =	ssyncadd.s32 $0xFFFFC000  }
0x1c1: {  	[tilespmem:s16], [sflag:$0x1] =	stream.indirect.gather [hbm4b:s5+s15], $0x80, s23, s15, $0xb8;
	[tilespmem:$0x1D000] =	vst v63  }
0x1c2: {  	_ =	swait.ge [sflag:s22], $0x4000  }
0x1c3: {  	[sflag:s22] =	ssyncset.done $0x0  }
0x1c4: {  	[sflag:s22] =	ssyncadd.s32 $0xFFFFC000  }
0x1c5: {  	[tilespmem:s17], [sflag:$0x2] =	stream.indirect.gather [hbm4b:s5+s15], $0x80, s24, s15, $0xb8;
	[tilespmem:$0x1D000] =	vst v63  }
0x1c6: {  	_ =	swait.ge [sflag:s18], $0x4000  }
0x1c7: {  	[sflag:s18] =	ssyncset.done $0x0  }
0x1c8: {  	[sflag:s18] =	ssyncadd.s32 $0xFFFFC000  }
0x1c9: {  	[spmem:s2] =	stream.indirect.scatter.add.f32 [tilespmem:s16], [sflag:$0x3], $0x80, s25, s15, $0xb8;
	[tilespmem:$0x1D000] =	vst v63  }
0x1ca: {  	_ =	swait.ge [sflag:s19], $0x4000  }
0x1cb: {  	[sflag:s19] =	ssyncset.done $0x0  }
0x1cc: {  	p1 =	seq.s32 s0, $0x1100;
	[sflag:s19] =	ssyncadd.s32 $0xFFFFC000  }
0x1cd: {  	[spmem:s2] =	stream.indirect.scatter.add.f32 [tilespmem:s17], [sflag:$0x4], $0x80, s26, s15, $0xb8;
	[tilespmem:$0x1D000] =	vst v63  }
.Ltmp5:
0x1ce: {  	_ =	swait.ge [sflag:s21], $0x4000;
	(pc) =	sbr.rel @!p1 .LBB2_3-.Ltmp5, $4  }
0x1cf: {  	[sflag:s21] =	ssyncset.done $0x0  }
0x1d0: {  	[sflag:s21] =	ssyncadd.s32 $0xFFFFC000  }
0x1d1: {  	_ =	swait.ge [sflag:s22], $0x4000  }
0x1d2: {  	s0 =	sadd.s32 $0x100, s0;
	[sflag:s22] =	ssyncset.done $0x0  }
.Ltmp6:
0x1d3: {  	_ = 	snop;
	(pc) =	sbr.rel .LBB2_4-.Ltmp6, $1  }
0x1d4: {  	_ =	sdelay $0x3  }
.LBB2_7:
0x1d5: {  	_ =	sfence.sel $0x180000  }
0x1d6: {  	[bflag:$0x0] =	sbarrier.arrive $0xFFFF  }
0x1d7: {  	_ =	strace $0x9000004A  }
0x1d8: {  	s0 =	stileid.u32;
	[bflag:$0x2] =	sbarrier.arrive $0xFFFF  }
0x1d9: {  	p0 =	sne.s32 s0, $0x0;
	s0 =	rddreg [dreg:$0x3]  }
0x1da: {  	s0 =	sadd.s32 @!p0 $0x100000, s0  }
0x1db: {  	[sflag:s0] =	ssyncadd.tile.s32 @!p0 $0x1;
	_ =	shalt  }
.Lfunc_end2:
_tile_overlayer_lowered:
.L_overlay_start_2:
0x1dc: {  	(tag) =	ssettag $0x2  }
0x1dd: {  	s0 =	rddreg [dreg:$0x0];
	s2 =	stileid.u32  }
0x1de: {  	s1 =	rddreg [dreg:$0x1];
	p0 =	sne.s32 s2, $0x0  }
0x1df: {  	s3 =	rddreg [dreg:$0x2];
	[bflag:$0x3] =	sbarrier.arrive $0xFFFF;
	s2 =	simm.s32 @!p0 $0x1C05  }
0x1e0: {  	[timem:s3], [sflag:s2] =	dma.local @!p0 [hbm:s0], s1  }
0x1e1: {  	s0 =	simm.s32 @!p0 $0x5  }
0x1e2: {  	_ =	swait.ge @!p0 [sflag:s0], s1  }
0x1e3: {  	s1 =	ssub.s32 @!p0 $0x0, s1;
	[sflag:s0] =	ssyncset.done @!p0 $0x0  }
0x1e4: {  	[sflag:s0] =	ssyncadd.s32 @!p0 s1  }
0x1e5: {  	[bflag:$0x3] =	sbarrier.arrive $0xFFFF  }
0x1e6: {  	_ =	shalt  }

</sc_bundles>
